<compile_context>
chip_gen: v7x
topology: tpu7x:2x2x1
jax: 0.10.2.dev20260603
libtpu: 0.0.44.dev20260713+nightly
codegen_flags: <defaults>
</compile_context>

<pallas_src>
import jax
import jax.numpy as jnp
from jax import lax
from jax.experimental import pallas as pl
from jax.experimental.pallas import tpu as pltpu
from jax.experimental.pallas import tpu_sc as plsc

NC = 2
NS = 16
NW = NC * NS
CHUNK = 5000
CHUNK_A = 4000
DP = 8

_SC_PARAMS = dict(
    mesh=plsc.VectorSubcoreMesh(
        core_axis_name="c", subcore_axis_name="s",
        num_cores=NC, num_subcores=NS),
    compiler_params=pltpu.CompilerParams(use_tc_tiling_on_sc=False),
)


def _make_degree(n, e):
    epw = e // NW
    iters = epw // CHUNK

    def body(ei_hbm, zeros_hbm, ones_hbm, out_hbm,
             idx0, idx1, ones_v, acc_sh, isem0, isem1, ssem0, ssem1):
        c = lax.axis_index("c")
        s = lax.axis_index("s")
        wid = c * NS + s
        e0 = wid * epw
        pltpu.sync_copy(ones_hbm, ones_v)

        @pl.when(s == 0)
        def _():
            pltpu.sync_copy(zeros_hbm, acc_sh)

        plsc.subcore_barrier()
        bufs = ((idx0, isem0, ssem0), (idx1, isem1, ssem1))

        def issue_idx(i, idx, isem):
            pltpu.async_copy(ei_hbm.at[1, pl.ds(e0 + i * CHUNK, CHUNK)], idx, isem)

        def wait_idx(idx, isem):
            pltpu.make_async_copy(ei_hbm.at[1, pl.ds(0, CHUNK)], idx, isem).wait()

        issue_idx(0, idx0, isem0)

        def pair(i2, carry):
            for b in (0, 1):
                idx, isem, ssem = bufs[b]
                oidx, oisem, ossem = bufs[1 - b]
                i = i2 * 2 + b
                wait_idx(idx, isem)
                pltpu.async_copy(ones_v, acc_sh.at[idx], ssem, add=True)
                if b == 0:
                    @pl.when(i2 >= 1)
                    def _():
                        pltpu.make_async_copy(ones_v, acc_sh.at[oidx], ossem).wait()
                    issue_idx(i + 1, oidx, oisem)
                else:
                    pltpu.make_async_copy(ones_v, acc_sh.at[oidx], ossem).wait()

                    @pl.when(i2 < iters // 2 - 1)
                    def _():
                        issue_idx(i + 1, oidx, oisem)
            return carry

        lax.fori_loop(0, iters // 2, pair, 0)
        pltpu.make_async_copy(ones_v, acc_sh.at[idx1], ssem1).wait()
        plsc.subcore_barrier()

        @pl.when(s == 0)
        def _():
            pltpu.sync_copy(acc_sh, out_hbm.at[c])

    return pl.kernel(
        body,
        out_type=jax.ShapeDtypeStruct((NC, n, DP), jnp.float32),
        scratch_types=[
            pltpu.VMEM((CHUNK,), jnp.int32),
            pltpu.VMEM((CHUNK,), jnp.int32),
            pltpu.VMEM((CHUNK, DP), jnp.float32),
            pltpu.VMEM_SHARED((n, DP), jnp.float32),
            pltpu.SemaphoreType.DMA,
            pltpu.SemaphoreType.DMA,
            pltpu.SemaphoreType.DMA,
            pltpu.SemaphoreType.DMA,
        ],
        **_SC_PARAMS,
    )


def _make_agg(n, e):
    epw = e // NW
    iters = epw // CHUNK_A

    def body(ei_hbm, xs_hbm, zeros_hbm, out_hbm,
             idxs0, idxs1, idxd0, idxd1, rows0, rows1, acc_sh,
             isem0, isem1, gsem0, gsem1, ssem0, ssem1):
        c = lax.axis_index("c")
        s = lax.axis_index("s")
        wid = c * NS + s
        e0 = wid * epw

        @pl.when(s == 0)
        def _():
            pltpu.sync_copy(zeros_hbm, acc_sh)

        plsc.subcore_barrier()
        bufs = ((idxs0, idxd0, rows0, isem0, gsem0, ssem0),
                (idxs1, idxd1, rows1, isem1, gsem1, ssem1))

        def issue_idx(i, idxs, idxd, isem):
            base = e0 + i * CHUNK_A
            pltpu.async_copy(ei_hbm.at[0, pl.ds(base, CHUNK_A)], idxs, isem)
            pltpu.async_copy(ei_hbm.at[1, pl.ds(base, CHUNK_A)], idxd, isem)

        def wait_idx(idxs, idxd, isem):
            pltpu.make_async_copy(ei_hbm.at[0, pl.ds(0, CHUNK_A)], idxs, isem).wait()
            pltpu.make_async_copy(ei_hbm.at[1, pl.ds(0, CHUNK_A)], idxd, isem).wait()

        issue_idx(0, idxs0, idxd0, isem0)

        def pair(i2, carry):
            for b in (0, 1):
                idxs, idxd, rows, isem, gsem, ssem = bufs[b]
                oidxs, oidxd, orows, oisem, ogsem, ossem = bufs[1 - b]
                wait_idx(idxs, idxd, isem)
                g = pltpu.async_copy(xs_hbm.at[idxs], rows, gsem)
                if b == 0:
                    @pl.when(i2 >= 1)
                    def _():
                        pltpu.make_async_copy(orows, acc_sh.at[oidxd], ossem).wait()
                    issue_idx(i2 * 2 + 1, oidxs, oidxd, oisem)
                else:
                    pltpu.make_async_copy(orows, acc_sh.at[oidxd], ossem).wait()

                    @pl.when(i2 < iters // 2 - 1)
                    def _():
                        issue_idx(i2 * 2 + 2, oidxs, oidxd, oisem)
                g.wait()
                pltpu.async_copy(rows, acc_sh.at[idxd], ssem, add=True)
            return carry

        lax.fori_loop(0, iters // 2, pair, 0)
        pltpu.make_async_copy(rows1, acc_sh.at[idxd1], ssem1).wait()
        plsc.subcore_barrier()

        @pl.when(s == 0)
        def _():
            pltpu.sync_copy(acc_sh, out_hbm.at[c])

    return pl.kernel(
        body,
        out_type=jax.ShapeDtypeStruct((NC, n, DP), jnp.float32),
        scratch_types=[
            pltpu.VMEM((CHUNK_A,), jnp.int32),
            pltpu.VMEM((CHUNK_A,), jnp.int32),
            pltpu.VMEM((CHUNK_A,), jnp.int32),
            pltpu.VMEM((CHUNK_A,), jnp.int32),
            pltpu.VMEM((CHUNK_A, DP), jnp.float32),
            pltpu.VMEM((CHUNK_A, DP), jnp.float32),
            pltpu.VMEM_SHARED((n, DP), jnp.float32),
            pltpu.SemaphoreType.DMA,
            pltpu.SemaphoreType.DMA,
            pltpu.SemaphoreType.DMA,
            pltpu.SemaphoreType.DMA,
            pltpu.SemaphoreType.DMA,
            pltpu.SemaphoreType.DMA,
        ],
        **_SC_PARAMS,
    )


def _tc1_body(deg2_ref, x8_ref, dinv_ref, xs_ref):
    deg = deg2_ref[0] + deg2_ref[1] + 1.0
    dinv = lax.rsqrt(deg)
    dinv_ref[...] = dinv
    xs_ref[...] = dinv * x8_ref[...]


def _tc2_body(dinv_ref, s1_ref, x8_ref, b_ref, bp_ref, h1_ref, xs2_ref):
    dinv = dinv_ref[...]
    agg = dinv * (s1_ref[0] + s1_ref[1]) + dinv * dinv * x8_ref[...]
    h = jnp.dot(agg, b_ref[...], preferred_element_type=jnp.float32) + bp_ref[...]
    h1 = jnp.maximum(h, 0.0)
    h1_ref[...] = h1
    xs2_ref[...] = dinv * h1


def _tc3_body(dinv_ref, s2_ref, h1_ref, b_ref, bp_ref, out_ref):
    dinv = dinv_ref[...]
    agg = dinv * (s2_ref[0] + s2_ref[1]) + dinv * dinv * h1_ref[...]
    z = jnp.dot(agg, b_ref[...], preferred_element_type=jnp.float32) + bp_ref[...]
    lane = lax.broadcasted_iota(jnp.int32, z.shape, 1)
    valid = (lane % 8) < 4
    zm = jnp.where(valid, z, -3e38)
    t = jnp.maximum(zm, pltpu.roll(zm, 127, 1))
    t = jnp.maximum(t, pltpu.roll(t, 126, 1))
    rows_i = lax.broadcasted_iota(jnp.int32, (128, 128), 0)
    cols_i = lax.broadcasted_iota(jnp.int32, (128, 128), 1)
    grp = rows_i // 8 == cols_i // 8
    pb = jnp.where(grp & (rows_i % 8 == 0), 1.0, 0.0)
    msel = jnp.where((lane % 8) == 0, t, 0.0)
    m = jnp.dot(msel, pb, preferred_element_type=jnp.float32)
    ez = jnp.where(valid, jnp.exp(z - m), 0.0)
    ps = jnp.where(grp, 1.0, 0.0)
    ssum = jnp.dot(ez, ps, preferred_element_type=jnp.float32)
    out_ref[...] = z - m - jnp.log(ssum)


def kernel(x, edge_index, W1, b1, W2, b2):
    n, d = x.shape
    e = edge_index.shape[1]
    nv = n * DP // 128
    f32 = jnp.float32
    zeros8 = jnp.zeros((n, DP), f32)
    ones8 = jnp.ones((CHUNK, DP), f32)
    x8 = jnp.concatenate([x, jnp.zeros((n, d), f32)], axis=1)
    x8v = x8.reshape(nv, 128)

    deg2 = _make_degree(n, e)(edge_index, zeros8, ones8)
    deg2v = deg2.reshape(NC, nv, 128)

    dinv8v, xs1v = pl.pallas_call(
        _tc1_body,
        out_shape=[jax.ShapeDtypeStruct((nv, 128), f32)] * 2,
    )(deg2v, x8v)

    s1 = _make_agg(n, e)(edge_index, xs1v.reshape(n, DP), zeros8)

    w1b = jnp.kron(jnp.eye(16, dtype=f32), jnp.pad(W1, ((0, 4), (0, 4))))
    b1p = jnp.tile(jnp.concatenate([b1, jnp.zeros((4,), f32)]), 16).reshape(1, 128)
    h1v, xs2v = pl.pallas_call(
        _tc2_body,
        out_shape=[jax.ShapeDtypeStruct((nv, 128), f32)] * 2,
    )(dinv8v, s1.reshape(NC, nv, 128), x8v, w1b, b1p)

    s2 = _make_agg(n, e)(edge_index, xs2v.reshape(n, DP), zeros8)

    w2b = jnp.kron(jnp.eye(16, dtype=f32), jnp.pad(W2, ((0, 4), (0, 4))))
    b2p = jnp.tile(jnp.concatenate([b2, jnp.zeros((4,), f32)]), 16).reshape(1, 128)
    outv = pl.pallas_call(
        _tc3_body,
        out_shape=jax.ShapeDtypeStruct((nv, 128), f32),
    )(dinv8v, s2.reshape(NC, nv, 128), h1v, w2b, b2p)
    return outv.reshape(n, DP)[:, :4]

# --- scband reference (transcript-rebuilt; emitter-appended) ---
"""Pipeline reference for scband-net-33517924778672 (READ-ONLY COPY).

The authoritative reference and input builder live on the scoring server;
editing this copy changes nothing except your own understanding.
"""

import jax, jax.numpy as jnp
import numpy as np

N = 100000
E = 6400000
D = 4


def gcn_layer(x, W, b, src, dst, n):
    # PyG GCNConv: add self-loops, symmetric normalization D^-1/2 A D^-1/2, linear, scatter-add, bias
    loop = jnp.arange(n, dtype=src.dtype)
    src2 = jnp.concatenate([src, loop])
    dst2 = jnp.concatenate([dst, loop])
    deg = jnp.zeros((n,), dtype=x.dtype).at[dst2].add(1.0)
    dinv = jnp.where(deg > 0, deg ** -0.5, 0.0)
    norm = dinv[src2] * dinv[dst2]
    h = x @ W
    msg = h[src2] * norm[:, None]
    out = jnp.zeros((n, h.shape[1]), dtype=x.dtype).at[dst2].add(msg)
    return out + b


def setup_inputs(seed: int = 0) -> dict:
    key = jax.random.key(seed)
    k1, k2, k3, k4, k5, k6 = jax.random.split(key, 6)
    x = jax.random.normal(k1, (N, D), dtype=jnp.float32)
    edge_index = jax.random.randint(k2, (2, E), 0, N, dtype=jnp.int32)
    s = 1.0 / np.sqrt(D)
    W1 = jax.random.uniform(k3, (D, D), dtype=jnp.float32, minval=-s, maxval=s)
    b1 = jax.random.uniform(k4, (D,), dtype=jnp.float32, minval=-s, maxval=s)
    W2 = jax.random.uniform(k5, (D, D), dtype=jnp.float32, minval=-s, maxval=s)
    b2 = jax.random.uniform(k6, (D,), dtype=jnp.float32, minval=-s, maxval=s)
    return {"x": x, "edge_index": edge_index, "W1": W1, "b1": b1, "W2": W2, "b2": b2}


def reference(x, edge_index, W1, b1, W2, b2):
    src = edge_index[0]
    dst = edge_index[1]
    n = x.shape[0]
    h = jax.nn.relu(gcn_layer(x, W1, b1, src, dst, n))
    # dropout p=0.6 is identity in eval mode
    h = gcn_layer(h, W2, b2, src, dst, n)
    return jax.nn.log_softmax(h, axis=1)

if __name__ == "__main__":
    import jax
    _d = setup_inputs()
    print(jax.jit(kernel)(*tuple(_d.values())))

</pallas_src>

<mosaic_0001>
#map = affine_map<(d0, d1) -> (0, 0)>
#map1 = affine_map<(d0, d1) -> (0, 0, 0)>
module attributes {stable_mosaic.version = 14 : i64} {
  func.func @body(%arg0: i32, %arg1: i32, %arg2: memref<2x6400000xi32, #tpu.memory_space<hbm>>, %arg3: memref<100000x8xf32, #tpu.memory_space<hbm>>, %arg4: memref<5000x8xf32, #tpu.memory_space<hbm>>, %arg5: memref<2x100000x8xf32, #tpu.memory_space<hbm>>, %arg6: memref<5000xi32, #tpu.memory_space<vmem>>, %arg7: memref<5000xi32, #tpu.memory_space<vmem>>, %arg8: memref<5000x8xf32, #tpu.memory_space<vmem>>, %arg9: memref<100000x8xf32, #tpu.memory_space<vmem_shared>>, %arg10: memref<!tpu.dma_semaphore, #tpu.memory_space<semaphore_mem>>, %arg11: memref<!tpu.dma_semaphore, #tpu.memory_space<semaphore_mem>>, %arg12: memref<!tpu.dma_semaphore, #tpu.memory_space<semaphore_mem>>, %arg13: memref<!tpu.dma_semaphore, #tpu.memory_space<semaphore_mem>>) attributes {dimension_semantics = [#tpu.dimension_semantics<core_parallel>, #tpu.dimension_semantics<subcore_parallel>], iteration_bounds = array<i64: 2, 16>, scalar_prefetch = 0 : i64, scratch_operands = 8 : i64, tpu.core_type = #tpu.core_type<sc_vector_subcore>, window_params = [{transform_indices = #map}, {transform_indices = #map}, {transform_indices = #map}, {transform_indices = #map1}]} {
    %mul3A = arith.constant 16 : i32
    %mul3A_0 = arith.muli %arg0, %mul3A : i32
    %add3A = arith.addi %mul3A_0, %arg1 : i32
    %mul3A_1 = arith.constant 200000 : i32
    %mul3A_2 = arith.muli %add3A, %mul3A_1 : i32
    "tpu.region"() ({
      %run_scoped3A = tpu.sem_alloc : memref<!tpu.dma_semaphore, #tpu.memory_space<semaphore_mem>>
      tpu.enqueue_dma source(%arg4 : memref<5000x8xf32, #tpu.memory_space<hbm>>) target(%arg8 : memref<5000x8xf32, #tpu.memory_space<vmem>>) target_semaphore(%run_scoped3A : memref<!tpu.dma_semaphore, #tpu.memory_space<semaphore_mem>>)
      tpu.wait_dma2 semaphore(%run_scoped3A : memref<!tpu.dma_semaphore, #tpu.memory_space<semaphore_mem>>) src(%arg4 : memref<5000x8xf32, #tpu.memory_space<hbm>>) dst(%arg8 : memref<5000x8xf32, #tpu.memory_space<vmem>>)
      tpu.yield
    }) : () -> ()
    %eq3A = arith.constant 0 : i32
    %eq3A_3 = arith.cmpi eq, %arg1, %eq3A : i32
    %convert_element_type3A = arith.extui %eq3A_3 : i1 to i32
    %cond3A = arith.constant 0 : i32
    %cond3A_4 = arith.cmpi ne, %convert_element_type3A, %cond3A : i32
    scf.if %cond3A_4 {
      "tpu.region"() ({
        %run_scoped3A = tpu.sem_alloc : memref<!tpu.dma_semaphore, #tpu.memory_space<semaphore_mem>>
        tpu.enqueue_dma source(%arg3 : memref<100000x8xf32, #tpu.memory_space<hbm>>) target(%arg9 : memref<100000x8xf32, #tpu.memory_space<vmem_shared>>) target_semaphore(%run_scoped3A : memref<!tpu.dma_semaphore, #tpu.memory_space<semaphore_mem>>)
        tpu.wait_dma2 semaphore(%run_scoped3A : memref<!tpu.dma_semaphore, #tpu.memory_space<semaphore_mem>>) src(%arg3 : memref<100000x8xf32, #tpu.memory_space<hbm>>) dst(%arg9 : memref<100000x8xf32, #tpu.memory_space<vmem_shared>>)
        tpu.yield
      }) : () -> ()
    } else {
    }
    %barrier3A = arith.constant 0 : index
    tpu.barrier barrier_id(%barrier3A)
    %add3A_5 = arith.constant 0 : i32
    %add3A_6 = arith.addi %mul3A_2, %add3A_5 : i32
    %dma_start3A = arith.constant 1 : i32
    %dma_start3A_7 = tpu.memref_slice %arg2[%dma_start3A, %add3A_6] : memref<2x6400000xi32, #tpu.memory_space<hbm>> -> memref<1x5000xi32, #tpu.memory_space<hbm>>
    %dma_start3A_8 = tpu.memref_squeeze %dma_start3A_7 : memref<1x5000xi32, #tpu.memory_space<hbm>> -> memref<5000xi32, #tpu.memory_space<hbm>>
    %dma_start3A_9 = tpu.memref_slice %arg2[%dma_start3A, %add3A_6] : memref<2x6400000xi32, #tpu.memory_space<hbm>> -> memref<1x5000xi32, #tpu.memory_space<hbm>>
    %dma_start3A_10 = tpu.memref_squeeze %dma_start3A_9 : memref<1x5000xi32, #tpu.memory_space<hbm>> -> memref<5000xi32, #tpu.memory_space<hbm>>
    tpu.enqueue_dma source(%dma_start3A_10 : memref<5000xi32, #tpu.memory_space<hbm>>) target(%arg6 : memref<5000xi32, #tpu.memory_space<vmem>>) target_semaphore(%arg10 : memref<!tpu.dma_semaphore, #tpu.memory_space<semaphore_mem>>)
    %scan3A = arith.constant 0 : i32
    %scan3A_11 = arith.constant 0 : i32
    %scan3A_12 = arith.constant 20 : i32
    %scan3A_13 = arith.addi %scan3A_11, %scan3A_12 : i32
    %scan3A_14 = arith.constant 1 : i32
    scf.for %scan3A_24 = %scan3A_11 to %scan3A_13 step %scan3A_14  : i32 {
      %mul3A_25 = arith.constant 2 : i32
      %mul3A_26 = arith.muli %scan3A_24, %mul3A_25 : i32
      %add3A_27 = arith.constant 0 : i32
      %add3A_28 = arith.addi %mul3A_26, %add3A_27 : i32
      %dma_wait3A_29 = arith.constant 1 : i32
      %dma_wait3A_30 = arith.constant 0 : i32
      %dma_wait3A_31 = tpu.memref_slice %arg2[%dma_wait3A_29, %dma_wait3A_30] : memref<2x6400000xi32, #tpu.memory_space<hbm>> -> memref<1x5000xi32, #tpu.memory_space<hbm>>
      %dma_wait3A_32 = tpu.memref_squeeze %dma_wait3A_31 : memref<1x5000xi32, #tpu.memory_space<hbm>> -> memref<5000xi32, #tpu.memory_space<hbm>>
      %dma_wait3A_33 = arith.constant 0 : i32
      %dma_wait3A_34 = tpu.memref_slice %arg2[%dma_wait3A_29, %dma_wait3A_33] : memref<2x6400000xi32, #tpu.memory_space<hbm>> -> memref<1x5000xi32, #tpu.memory_space<hbm>>
      %dma_wait3A_35 = tpu.memref_squeeze %dma_wait3A_34 : memref<1x5000xi32, #tpu.memory_space<hbm>> -> memref<5000xi32, #tpu.memory_space<hbm>>
      tpu.wait_dma2 semaphore(%arg10 : memref<!tpu.dma_semaphore, #tpu.memory_space<semaphore_mem>>) src(%dma_wait3A_35 : memref<5000xi32, #tpu.memory_space<hbm>>) dst(%arg6 : memref<5000xi32, #tpu.memory_space<vmem>>)
      %dma_start3A_36 = arith.constant 0 : i32
      %dma_start3A_37 = arith.constant 0 : i32
      %dma_start3A_38 = tpu.memref_slice %arg9[%dma_start3A_36, %dma_start3A_37] : memref<100000x8xf32, #tpu.memory_space<vmem_shared>> -> memref<100000x8xf32, #tpu.memory_space<vmem_shared>>
      tpu.enqueue_indirect_dma source(%arg8 : memref<5000x8xf32, #tpu.memory_space<vmem>>) target(%dma_start3A_38 : memref<100000x8xf32, #tpu.memory_space<vmem_shared>>) offsets(%arg6 : memref<5000xi32, #tpu.memory_space<vmem>>) semaphore(%arg12 : memref<!tpu.dma_semaphore, #tpu.memory_space<semaphore_mem>>) {add = true}
      %ge3A = arith.constant 1 : i32
      %ge3A_39 = arith.cmpi sge, %scan3A_24, %ge3A : i32
      %convert_element_type3A_40 = arith.extui %ge3A_39 : i1 to i32
      %cond3A_41 = arith.constant 0 : i32
      %cond3A_42 = arith.cmpi ne, %convert_element_type3A_40, %cond3A_41 : i32
      scf.if %cond3A_42 {
        %dma_wait3A_74 = arith.constant 0 : i32
        %dma_wait3A_75 = arith.constant 0 : i32
        %dma_wait3A_76 = tpu.memref_slice %arg9[%dma_wait3A_74, %dma_wait3A_75] : memref<100000x8xf32, #tpu.memory_space<vmem_shared>> -> memref<100000x8xf32, #tpu.memory_space<vmem_shared>>
        tpu.wait_indirect_dma semaphore(%arg13 : memref<!tpu.dma_semaphore, #tpu.memory_space<semaphore_mem>>) src(%arg8 : memref<5000x8xf32, #tpu.memory_space<vmem>>) dst(%dma_wait3A_76 : memref<100000x8xf32, #tpu.memory_space<vmem_shared>>)
      } else {
      }
      %add3A_43 = arith.constant 1 : i32
      %add3A_44 = arith.addi %add3A_28, %add3A_43 : i32
      %mul3A_45 = arith.constant 5000 : i32
      %mul3A_46 = arith.muli %add3A_44, %mul3A_45 : i32
      %add3A_47 = arith.addi %mul3A_2, %mul3A_46 : i32
      %dma_start3A_48 = arith.constant 1 : i32
      %dma_start3A_49 = tpu.memref_slice %arg2[%dma_start3A_48, %add3A_47] : memref<2x6400000xi32, #tpu.memory_space<hbm>> -> memref<1x5000xi32, #tpu.memory_space<hbm>>
      %dma_start3A_50 = tpu.memref_squeeze %dma_start3A_49 : memref<1x5000xi32, #tpu.memory_space<hbm>> -> memref<5000xi32, #tpu.memory_space<hbm>>
      %dma_start3A_51 = tpu.memref_slice %arg2[%dma_start3A_48, %add3A_47] : memref<2x6400000xi32, #tpu.memory_space<hbm>> -> memref<1x5000xi32, #tpu.memory_space<hbm>>
      %dma_start3A_52 = tpu.memref_squeeze %dma_start3A_51 : memref<1x5000xi32, #tpu.memory_space<hbm>> -> memref<5000xi32, #tpu.memory_space<hbm>>
      tpu.enqueue_dma source(%dma_start3A_52 : memref<5000xi32, #tpu.memory_space<hbm>>) target(%arg7 : memref<5000xi32, #tpu.memory_space<vmem>>) target_semaphore(%arg11 : memref<!tpu.dma_semaphore, #tpu.memory_space<semaphore_mem>>)
      %mul3A_53 = arith.constant 2 : i32
      %mul3A_54 = arith.muli %scan3A_24, %mul3A_53 : i32
      %add3A_55 = arith.constant 1 : i32
      %add3A_56 = arith.addi %mul3A_54, %add3A_55 : i32
      %dma_wait3A_57 = arith.constant 1 : i32
      %dma_wait3A_58 = arith.constant 0 : i32
      %dma_wait3A_59 = tpu.memref_slice %arg2[%dma_wait3A_57, %dma_wait3A_58] : memref<2x6400000xi32, #tpu.memory_space<hbm>> -> memref<1x5000xi32, #tpu.memory_space<hbm>>
      %dma_wait3A_60 = tpu.memref_squeeze %dma_wait3A_59 : memref<1x5000xi32, #tpu.memory_space<hbm>> -> memref<5000xi32, #tpu.memory_space<hbm>>
      %dma_wait3A_61 = arith.constant 0 : i32
      %dma_wait3A_62 = tpu.memref_slice %arg2[%dma_wait3A_57, %dma_wait3A_61] : memref<2x6400000xi32, #tpu.memory_space<hbm>> -> memref<1x5000xi32, #tpu.memory_space<hbm>>
      %dma_wait3A_63 = tpu.memref_squeeze %dma_wait3A_62 : memref<1x5000xi32, #tpu.memory_space<hbm>> -> memref<5000xi32, #tpu.memory_space<hbm>>
      tpu.wait_dma2 semaphore(%arg11 : memref<!tpu.dma_semaphore, #tpu.memory_space<semaphore_mem>>) src(%dma_wait3A_63 : memref<5000xi32, #tpu.memory_space<hbm>>) dst(%arg7 : memref<5000xi32, #tpu.memory_space<vmem>>)
      %dma_start3A_64 = arith.constant 0 : i32
      %dma_start3A_65 = arith.constant 0 : i32
      %dma_start3A_66 = tpu.memref_slice %arg9[%dma_start3A_64, %dma_start3A_65] : memref<100000x8xf32, #tpu.memory_space<vmem_shared>> -> memref<100000x8xf32, #tpu.memory_space<vmem_shared>>
      tpu.enqueue_indirect_dma source(%arg8 : memref<5000x8xf32, #tpu.memory_space<vmem>>) target(%dma_start3A_66 : memref<100000x8xf32, #tpu.memory_space<vmem_shared>>) offsets(%arg7 : memref<5000xi32, #tpu.memory_space<vmem>>) semaphore(%arg13 : memref<!tpu.dma_semaphore, #tpu.memory_space<semaphore_mem>>) {add = true}
      %dma_wait3A_67 = arith.constant 0 : i32
      %dma_wait3A_68 = arith.constant 0 : i32
      %dma_wait3A_69 = tpu.memref_slice %arg9[%dma_wait3A_67, %dma_wait3A_68] : memref<100000x8xf32, #tpu.memory_space<vmem_shared>> -> memref<100000x8xf32, #tpu.memory_space<vmem_shared>>
      tpu.wait_indirect_dma semaphore(%arg12 : memref<!tpu.dma_semaphore, #tpu.memory_space<semaphore_mem>>) src(%arg8 : memref<5000x8xf32, #tpu.memory_space<vmem>>) dst(%dma_wait3A_69 : memref<100000x8xf32, #tpu.memory_space<vmem_shared>>)
      %lt3A = arith.constant 19 : i32
      %lt3A_70 = arith.cmpi slt, %scan3A_24, %lt3A : i32
      %convert_element_type3A_71 = arith.extui %lt3A_70 : i1 to i32
      %cond3A_72 = arith.constant 0 : i32
      %cond3A_73 = arith.cmpi ne, %convert_element_type3A_71, %cond3A_72 : i32
      scf.if %cond3A_73 {
        %add3A_74 = arith.constant 1 : i32
        %add3A_75 = arith.addi %add3A_56, %add3A_74 : i32
        %mul3A_76 = arith.constant 5000 : i32
        %mul3A_77 = arith.muli %add3A_75, %mul3A_76 : i32
        %add3A_78 = arith.addi %mul3A_2, %mul3A_77 : i32
        %dma_start3A_79 = arith.constant 1 : i32
        %dma_start3A_80 = tpu.memref_slice %arg2[%dma_start3A_79, %add3A_78] : memref<2x6400000xi32, #tpu.memory_space<hbm>> -> memref<1x5000xi32, #tpu.memory_space<hbm>>
        %dma_start3A_81 = tpu.memref_squeeze %dma_start3A_80 : memref<1x5000xi32, #tpu.memory_space<hbm>> -> memref<5000xi32, #tpu.memory_space<hbm>>
        %dma_start3A_82 = tpu.memref_slice %arg2[%dma_start3A_79, %add3A_78] : memref<2x6400000xi32, #tpu.memory_space<hbm>> -> memref<1x5000xi32, #tpu.memory_space<hbm>>
        %dma_start3A_83 = tpu.memref_squeeze %dma_start3A_82 : memref<1x5000xi32, #tpu.memory_space<hbm>> -> memref<5000xi32, #tpu.memory_space<hbm>>
        tpu.enqueue_dma source(%dma_start3A_83 : memref<5000xi32, #tpu.memory_space<hbm>>) target(%arg6 : memref<5000xi32, #tpu.memory_space<vmem>>) target_semaphore(%arg10 : memref<!tpu.dma_semaphore, #tpu.memory_space<semaphore_mem>>)
      } else {
      }
    }
    %scan3A_15 = arith.constant 20 : i32
    %dma_wait3A = arith.constant 0 : i32
    %dma_wait3A_16 = arith.constant 0 : i32
    %dma_wait3A_17 = tpu.memref_slice %arg9[%dma_wait3A, %dma_wait3A_16] : memref<100000x8xf32, #tpu.memory_space<vmem_shared>> -> memref<100000x8xf32, #tpu.memory_space<vmem_shared>>
    tpu.wait_indirect_dma semaphore(%arg13 : memref<!tpu.dma_semaphore, #tpu.memory_space<semaphore_mem>>) src(%arg8 : memref<5000x8xf32, #tpu.memory_space<vmem>>) dst(%dma_wait3A_17 : memref<100000x8xf32, #tpu.memory_space<vmem_shared>>)
    %barrier3A_18 = arith.constant 0 : index
    tpu.barrier barrier_id(%barrier3A_18)
    %eq3A_19 = arith.constant 0 : i32
    %eq3A_20 = arith.cmpi eq, %arg1, %eq3A_19 : i32
    %convert_element_type3A_21 = arith.extui %eq3A_20 : i1 to i32
    %cond3A_22 = arith.constant 0 : i32
    %cond3A_23 = arith.cmpi ne, %convert_element_type3A_21, %cond3A_22 : i32
    scf.if %cond3A_23 {
      "tpu.region"() ({
        %run_scoped3A = tpu.sem_alloc : memref<!tpu.dma_semaphore, #tpu.memory_space<semaphore_mem>>
        %dma_start3A_24 = arith.constant 0 : i32
        %dma_start3A_25 = arith.constant 0 : i32
        %dma_start3A_26 = tpu.memref_slice %arg5[%arg0, %dma_start3A_24, %dma_start3A_25] : memref<2x100000x8xf32, #tpu.memory_space<hbm>> -> memref<1x100000x8xf32, #tpu.memory_space<hbm>>
        %dma_start3A_27 = tpu.memref_squeeze %dma_start3A_26 : memref<1x100000x8xf32, #tpu.memory_space<hbm>> -> memref<100000x8xf32, #tpu.memory_space<hbm>>
        tpu.enqueue_dma source(%arg9 : memref<100000x8xf32, #tpu.memory_space<vmem_shared>>) target(%dma_start3A_27 : memref<100000x8xf32, #tpu.memory_space<hbm>>) target_semaphore(%run_scoped3A : memref<!tpu.dma_semaphore, #tpu.memory_space<semaphore_mem>>)
        %dma_wait3A_28 = arith.constant 0 : i32
        %dma_wait3A_29 = arith.constant 0 : i32
        %dma_wait3A_30 = tpu.memref_slice %arg5[%arg0, %dma_wait3A_28, %dma_wait3A_29] : memref<2x100000x8xf32, #tpu.memory_space<hbm>> -> memref<1x100000x8xf32, #tpu.memory_space<hbm>>
        %dma_wait3A_31 = tpu.memref_squeeze %dma_wait3A_30 : memref<1x100000x8xf32, #tpu.memory_space<hbm>> -> memref<100000x8xf32, #tpu.memory_space<hbm>>
        tpu.wait_dma2 semaphore(%run_scoped3A : memref<!tpu.dma_semaphore, #tpu.memory_space<semaphore_mem>>) src(%arg9 : memref<100000x8xf32, #tpu.memory_space<vmem_shared>>) dst(%dma_wait3A_31 : memref<100000x8xf32, #tpu.memory_space<hbm>>)
        tpu.yield
      }) : () -> ()
    } else {
    }
    return
  }
}

#map = affine_map<(d0, d1) -> (0, 0)>
#map1 = affine_map<(d0, d1) -> (0, 0, 0)>
module attributes {stable_mosaic.version = 14 : i64} {
  func.func @body(%arg0: i32, %arg1: i32, %arg2: memref<2x6400000xi32, #tpu.memory_space<hbm>>, %arg3: memref<100000x8xf32, #tpu.memory_space<hbm>>, %arg4: memref<100000x8xf32, #tpu.memory_space<hbm>>, %arg5: memref<2x100000x8xf32, #tpu.memory_space<hbm>>, %arg6: memref<4000xi32, #tpu.memory_space<vmem>>, %arg7: memref<4000xi32, #tpu.memory_space<vmem>>, %arg8: memref<4000xi32, #tpu.memory_space<vmem>>, %arg9: memref<4000xi32, #tpu.memory_space<vmem>>, %arg10: memref<4000x8xf32, #tpu.memory_space<vmem>>, %arg11: memref<4000x8xf32, #tpu.memory_space<vmem>>, %arg12: memref<100000x8xf32, #tpu.memory_space<vmem_shared>>, %arg13: memref<!tpu.dma_semaphore, #tpu.memory_space<semaphore_mem>>, %arg14: memref<!tpu.dma_semaphore, #tpu.memory_space<semaphore_mem>>, %arg15: memref<!tpu.dma_semaphore, #tpu.memory_space<semaphore_mem>>, %arg16: memref<!tpu.dma_semaphore, #tpu.memory_space<semaphore_mem>>, %arg17: memref<!tpu.dma_semaphore, #tpu.memory_space<semaphore_mem>>, %arg18: memref<!tpu.dma_semaphore, #tpu.memory_space<semaphore_mem>>) attributes {dimension_semantics = [#tpu.dimension_semantics<core_parallel>, #tpu.dimension_semantics<subcore_parallel>], iteration_bounds = array<i64: 2, 16>, scalar_prefetch = 0 : i64, scratch_operands = 13 : i64, tpu.core_type = #tpu.core_type<sc_vector_subcore>, window_params = [{transform_indices = #map}, {transform_indices = #map}, {transform_indices = #map}, {transform_indices = #map1}]} {
    %mul3A = arith.constant 16 : i32
    %mul3A_0 = arith.muli %arg0, %mul3A : i32
    %add3A = arith.addi %mul3A_0, %arg1 : i32
    %mul3A_1 = arith.constant 200000 : i32
    %mul3A_2 = arith.muli %add3A, %mul3A_1 : i32
    %eq3A = arith.constant 0 : i32
    %eq3A_3 = arith.cmpi eq, %arg1, %eq3A : i32
    %convert_element_type3A = arith.extui %eq3A_3 : i1 to i32
    %cond3A = arith.constant 0 : i32
    %cond3A_4 = arith.cmpi ne, %convert_element_type3A, %cond3A : i32
    scf.if %cond3A_4 {
      "tpu.region"() ({
        %run_scoped3A = tpu.sem_alloc : memref<!tpu.dma_semaphore, #tpu.memory_space<semaphore_mem>>
        tpu.enqueue_dma source(%arg4 : memref<100000x8xf32, #tpu.memory_space<hbm>>) target(%arg12 : memref<100000x8xf32, #tpu.memory_space<vmem_shared>>) target_semaphore(%run_scoped3A : memref<!tpu.dma_semaphore, #tpu.memory_space<semaphore_mem>>)
        tpu.wait_dma2 semaphore(%run_scoped3A : memref<!tpu.dma_semaphore, #tpu.memory_space<semaphore_mem>>) src(%arg4 : memref<100000x8xf32, #tpu.memory_space<hbm>>) dst(%arg12 : memref<100000x8xf32, #tpu.memory_space<vmem_shared>>)
        tpu.yield
      }) : () -> ()
    } else {
    }
    %barrier3A = arith.constant 0 : index
    tpu.barrier barrier_id(%barrier3A)
    %add3A_5 = arith.constant 0 : i32
    %add3A_6 = arith.addi %mul3A_2, %add3A_5 : i32
    %dma_start3A = arith.constant 0 : i32
    %dma_start3A_7 = tpu.memref_slice %arg2[%dma_start3A, %add3A_6] : memref<2x6400000xi32, #tpu.memory_space<hbm>> -> memref<1x4000xi32, #tpu.memory_space<hbm>>
    %dma_start3A_8 = tpu.memref_squeeze %dma_start3A_7 : memref<1x4000xi32, #tpu.memory_space<hbm>> -> memref<4000xi32, #tpu.memory_space<hbm>>
    %dma_start3A_9 = tpu.memref_slice %arg2[%dma_start3A, %add3A_6] : memref<2x6400000xi32, #tpu.memory_space<hbm>> -> memref<1x4000xi32, #tpu.memory_space<hbm>>
    %dma_start3A_10 = tpu.memref_squeeze %dma_start3A_9 : memref<1x4000xi32, #tpu.memory_space<hbm>> -> memref<4000xi32, #tpu.memory_space<hbm>>
    tpu.enqueue_dma source(%dma_start3A_10 : memref<4000xi32, #tpu.memory_space<hbm>>) target(%arg6 : memref<4000xi32, #tpu.memory_space<vmem>>) target_semaphore(%arg13 : memref<!tpu.dma_semaphore, #tpu.memory_space<semaphore_mem>>)
    %dma_start3A_11 = arith.constant 1 : i32
    %dma_start3A_12 = tpu.memref_slice %arg2[%dma_start3A_11, %add3A_6] : memref<2x6400000xi32, #tpu.memory_space<hbm>> -> memref<1x4000xi32, #tpu.memory_space<hbm>>
    %dma_start3A_13 = tpu.memref_squeeze %dma_start3A_12 : memref<1x4000xi32, #tpu.memory_space<hbm>> -> memref<4000xi32, #tpu.memory_space<hbm>>
    %dma_start3A_14 = tpu.memref_slice %arg2[%dma_start3A_11, %add3A_6] : memref<2x6400000xi32, #tpu.memory_space<hbm>> -> memref<1x4000xi32, #tpu.memory_space<hbm>>
    %dma_start3A_15 = tpu.memref_squeeze %dma_start3A_14 : memref<1x4000xi32, #tpu.memory_space<hbm>> -> memref<4000xi32, #tpu.memory_space<hbm>>
    tpu.enqueue_dma source(%dma_start3A_15 : memref<4000xi32, #tpu.memory_space<hbm>>) target(%arg8 : memref<4000xi32, #tpu.memory_space<vmem>>) target_semaphore(%arg13 : memref<!tpu.dma_semaphore, #tpu.memory_space<semaphore_mem>>)
    %scan3A = arith.constant 0 : i32
    %scan3A_16 = arith.constant 0 : i32
    %scan3A_17 = arith.constant 25 : i32
    %scan3A_18 = arith.addi %scan3A_16, %scan3A_17 : i32
    %scan3A_19 = arith.constant 1 : i32
    scf.for %scan3A_29 = %scan3A_16 to %scan3A_18 step %scan3A_19  : i32 {
      %dma_wait3A_30 = arith.constant 0 : i32
      %dma_wait3A_31 = arith.constant 0 : i32
      %dma_wait3A_32 = tpu.memref_slice %arg2[%dma_wait3A_30, %dma_wait3A_31] : memref<2x6400000xi32, #tpu.memory_space<hbm>> -> memref<1x4000xi32, #tpu.memory_space<hbm>>
      %dma_wait3A_33 = tpu.memref_squeeze %dma_wait3A_32 : memref<1x4000xi32, #tpu.memory_space<hbm>> -> memref<4000xi32, #tpu.memory_space<hbm>>
      %dma_wait3A_34 = arith.constant 0 : i32
      %dma_wait3A_35 = tpu.memref_slice %arg2[%dma_wait3A_30, %dma_wait3A_34] : memref<2x6400000xi32, #tpu.memory_space<hbm>> -> memref<1x4000xi32, #tpu.memory_space<hbm>>
      %dma_wait3A_36 = tpu.memref_squeeze %dma_wait3A_35 : memref<1x4000xi32, #tpu.memory_space<hbm>> -> memref<4000xi32, #tpu.memory_space<hbm>>
      tpu.wait_dma2 semaphore(%arg13 : memref<!tpu.dma_semaphore, #tpu.memory_space<semaphore_mem>>) src(%dma_wait3A_36 : memref<4000xi32, #tpu.memory_space<hbm>>) dst(%arg6 : memref<4000xi32, #tpu.memory_space<vmem>>)
      %dma_wait3A_37 = arith.constant 1 : i32
      %dma_wait3A_38 = arith.constant 0 : i32
      %dma_wait3A_39 = tpu.memref_slice %arg2[%dma_wait3A_37, %dma_wait3A_38] : memref<2x6400000xi32, #tpu.memory_space<hbm>> -> memref<1x4000xi32, #tpu.memory_space<hbm>>
      %dma_wait3A_40 = tpu.memref_squeeze %dma_wait3A_39 : memref<1x4000xi32, #tpu.memory_space<hbm>> -> memref<4000xi32, #tpu.memory_space<hbm>>
      %dma_wait3A_41 = arith.constant 0 : i32
      %dma_wait3A_42 = tpu.memref_slice %arg2[%dma_wait3A_37, %dma_wait3A_41] : memref<2x6400000xi32, #tpu.memory_space<hbm>> -> memref<1x4000xi32, #tpu.memory_space<hbm>>
      %dma_wait3A_43 = tpu.memref_squeeze %dma_wait3A_42 : memref<1x4000xi32, #tpu.memory_space<hbm>> -> memref<4000xi32, #tpu.memory_space<hbm>>
      tpu.wait_dma2 semaphore(%arg13 : memref<!tpu.dma_semaphore, #tpu.memory_space<semaphore_mem>>) src(%dma_wait3A_43 : memref<4000xi32, #tpu.memory_space<hbm>>) dst(%arg8 : memref<4000xi32, #tpu.memory_space<vmem>>)
      %dma_start3A_44 = arith.constant 0 : i32
      %dma_start3A_45 = arith.constant 0 : i32
      %dma_start3A_46 = tpu.memref_slice %arg3[%dma_start3A_44, %dma_start3A_45] : memref<100000x8xf32, #tpu.memory_space<hbm>> -> memref<100000x8xf32, #tpu.memory_space<hbm>>
      tpu.enqueue_indirect_dma source(%dma_start3A_46 : memref<100000x8xf32, #tpu.memory_space<hbm>>) target(%arg10 : memref<4000x8xf32, #tpu.memory_space<vmem>>) offsets(%arg6 : memref<4000xi32, #tpu.memory_space<vmem>>) semaphore(%arg15 : memref<!tpu.dma_semaphore, #tpu.memory_space<semaphore_mem>>)
      %ge3A = arith.constant 1 : i32
      %ge3A_47 = arith.cmpi sge, %scan3A_29, %ge3A : i32
      %convert_element_type3A_48 = arith.extui %ge3A_47 : i1 to i32
      %cond3A_49 = arith.constant 0 : i32
      %cond3A_50 = arith.cmpi ne, %convert_element_type3A_48, %cond3A_49 : i32
      scf.if %cond3A_50 {
        %dma_wait3A_104 = arith.constant 0 : i32
        %dma_wait3A_105 = arith.constant 0 : i32
        %dma_wait3A_106 = tpu.memref_slice %arg12[%dma_wait3A_104, %dma_wait3A_105] : memref<100000x8xf32, #tpu.memory_space<vmem_shared>> -> memref<100000x8xf32, #tpu.memory_space<vmem_shared>>
        tpu.wait_indirect_dma semaphore(%arg18 : memref<!tpu.dma_semaphore, #tpu.memory_space<semaphore_mem>>) src(%arg11 : memref<4000x8xf32, #tpu.memory_space<vmem>>) dst(%dma_wait3A_106 : memref<100000x8xf32, #tpu.memory_space<vmem_shared>>)
      } else {
      }
      %mul3A_51 = arith.constant 2 : i32
      %mul3A_52 = arith.muli %scan3A_29, %mul3A_51 : i32
      %add3A_53 = arith.constant 1 : i32
      %add3A_54 = arith.addi %mul3A_52, %add3A_53 : i32
      %mul3A_55 = arith.constant 4000 : i32
      %mul3A_56 = arith.muli %add3A_54, %mul3A_55 : i32
      %add3A_57 = arith.addi %mul3A_2, %mul3A_56 : i32
      %dma_start3A_58 = arith.constant 0 : i32
      %dma_start3A_59 = tpu.memref_slice %arg2[%dma_start3A_58, %add3A_57] : memref<2x6400000xi32, #tpu.memory_space<hbm>> -> memref<1x4000xi32, #tpu.memory_space<hbm>>
      %dma_start3A_60 = tpu.memref_squeeze %dma_start3A_59 : memref<1x4000xi32, #tpu.memory_space<hbm>> -> memref<4000xi32, #tpu.memory_space<hbm>>
      %dma_start3A_61 = tpu.memref_slice %arg2[%dma_start3A_58, %add3A_57] : memref<2x6400000xi32, #tpu.memory_space<hbm>> -> memref<1x4000xi32, #tpu.memory_space<hbm>>
      %dma_start3A_62 = tpu.memref_squeeze %dma_start3A_61 : memref<1x4000xi32, #tpu.memory_space<hbm>> -> memref<4000xi32, #tpu.memory_space<hbm>>
      tpu.enqueue_dma source(%dma_start3A_62 : memref<4000xi32, #tpu.memory_space<hbm>>) target(%arg7 : memref<4000xi32, #tpu.memory_space<vmem>>) target_semaphore(%arg14 : memref<!tpu.dma_semaphore, #tpu.memory_space<semaphore_mem>>)
      %dma_start3A_63 = arith.constant 1 : i32
      %dma_start3A_64 = tpu.memref_slice %arg2[%dma_start3A_63, %add3A_57] : memref<2x6400000xi32, #tpu.memory_space<hbm>> -> memref<1x4000xi32, #tpu.memory_space<hbm>>
      %dma_start3A_65 = tpu.memref_squeeze %dma_start3A_64 : memref<1x4000xi32, #tpu.memory_space<hbm>> -> memref<4000xi32, #tpu.memory_space<hbm>>
      %dma_start3A_66 = tpu.memref_slice %arg2[%dma_start3A_63, %add3A_57] : memref<2x6400000xi32, #tpu.memory_space<hbm>> -> memref<1x4000xi32, #tpu.memory_space<hbm>>
      %dma_start3A_67 = tpu.memref_squeeze %dma_start3A_66 : memref<1x4000xi32, #tpu.memory_space<hbm>> -> memref<4000xi32, #tpu.memory_space<hbm>>
      tpu.enqueue_dma source(%dma_start3A_67 : memref<4000xi32, #tpu.memory_space<hbm>>) target(%arg9 : memref<4000xi32, #tpu.memory_space<vmem>>) target_semaphore(%arg14 : memref<!tpu.dma_semaphore, #tpu.memory_space<semaphore_mem>>)
      %dma_wait3A_68 = arith.constant 0 : i32
      %dma_wait3A_69 = arith.constant 0 : i32
      %dma_wait3A_70 = tpu.memref_slice %arg3[%dma_wait3A_68, %dma_wait3A_69] : memref<100000x8xf32, #tpu.memory_space<hbm>> -> memref<100000x8xf32, #tpu.memory_space<hbm>>
      tpu.wait_indirect_dma semaphore(%arg15 : memref<!tpu.dma_semaphore, #tpu.memory_space<semaphore_mem>>) src(%dma_wait3A_70 : memref<100000x8xf32, #tpu.memory_space<hbm>>) dst(%arg10 : memref<4000x8xf32, #tpu.memory_space<vmem>>)
      %dma_start3A_71 = arith.constant 0 : i32
      %dma_start3A_72 = arith.constant 0 : i32
      %dma_start3A_73 = tpu.memref_slice %arg12[%dma_start3A_71, %dma_start3A_72] : memref<100000x8xf32, #tpu.memory_space<vmem_shared>> -> memref<100000x8xf32, #tpu.memory_space<vmem_shared>>
      tpu.enqueue_indirect_dma source(%arg10 : memref<4000x8xf32, #tpu.memory_space<vmem>>) target(%dma_start3A_73 : memref<100000x8xf32, #tpu.memory_space<vmem_shared>>) offsets(%arg8 : memref<4000xi32, #tpu.memory_space<vmem>>) semaphore(%arg17 : memref<!tpu.dma_semaphore, #tpu.memory_space<semaphore_mem>>) {add = true}
      %dma_wait3A_74 = arith.constant 0 : i32
      %dma_wait3A_75 = arith.constant 0 : i32
      %dma_wait3A_76 = tpu.memref_slice %arg2[%dma_wait3A_74, %dma_wait3A_75] : memref<2x6400000xi32, #tpu.memory_space<hbm>> -> memref<1x4000xi32, #tpu.memory_space<hbm>>
      %dma_wait3A_77 = tpu.memref_squeeze %dma_wait3A_76 : memref<1x4000xi32, #tpu.memory_space<hbm>> -> memref<4000xi32, #tpu.memory_space<hbm>>
      %dma_wait3A_78 = arith.constant 0 : i32
      %dma_wait3A_79 = tpu.memref_slice %arg2[%dma_wait3A_74, %dma_wait3A_78] : memref<2x6400000xi32, #tpu.memory_space<hbm>> -> memref<1x4000xi32, #tpu.memory_space<hbm>>
      %dma_wait3A_80 = tpu.memref_squeeze %dma_wait3A_79 : memref<1x4000xi32, #tpu.memory_space<hbm>> -> memref<4000xi32, #tpu.memory_space<hbm>>
      tpu.wait_dma2 semaphore(%arg14 : memref<!tpu.dma_semaphore, #tpu.memory_space<semaphore_mem>>) src(%dma_wait3A_80 : memref<4000xi32, #tpu.memory_space<hbm>>) dst(%arg7 : memref<4000xi32, #tpu.memory_space<vmem>>)
      %dma_wait3A_81 = arith.constant 1 : i32
      %dma_wait3A_82 = arith.constant 0 : i32
      %dma_wait3A_83 = tpu.memref_slice %arg2[%dma_wait3A_81, %dma_wait3A_82] : memref<2x6400000xi32, #tpu.memory_space<hbm>> -> memref<1x4000xi32, #tpu.memory_space<hbm>>
      %dma_wait3A_84 = tpu.memref_squeeze %dma_wait3A_83 : memref<1x4000xi32, #tpu.memory_space<hbm>> -> memref<4000xi32, #tpu.memory_space<hbm>>
      %dma_wait3A_85 = arith.constant 0 : i32
      %dma_wait3A_86 = tpu.memref_slice %arg2[%dma_wait3A_81, %dma_wait3A_85] : memref<2x6400000xi32, #tpu.memory_space<hbm>> -> memref<1x4000xi32, #tpu.memory_space<hbm>>
      %dma_wait3A_87 = tpu.memref_squeeze %dma_wait3A_86 : memref<1x4000xi32, #tpu.memory_space<hbm>> -> memref<4000xi32, #tpu.memory_space<hbm>>
      tpu.wait_dma2 semaphore(%arg14 : memref<!tpu.dma_semaphore, #tpu.memory_space<semaphore_mem>>) src(%dma_wait3A_87 : memref<4000xi32, #tpu.memory_space<hbm>>) dst(%arg9 : memref<4000xi32, #tpu.memory_space<vmem>>)
      %dma_start3A_88 = arith.constant 0 : i32
      %dma_start3A_89 = arith.constant 0 : i32
      %dma_start3A_90 = tpu.memref_slice %arg3[%dma_start3A_88, %dma_start3A_89] : memref<100000x8xf32, #tpu.memory_space<hbm>> -> memref<100000x8xf32, #tpu.memory_space<hbm>>
      tpu.enqueue_indirect_dma source(%dma_start3A_90 : memref<100000x8xf32, #tpu.memory_space<hbm>>) target(%arg11 : memref<4000x8xf32, #tpu.memory_space<vmem>>) offsets(%arg7 : memref<4000xi32, #tpu.memory_space<vmem>>) semaphore(%arg16 : memref<!tpu.dma_semaphore, #tpu.memory_space<semaphore_mem>>)
      %dma_wait3A_91 = arith.constant 0 : i32
      %dma_wait3A_92 = arith.constant 0 : i32
      %dma_wait3A_93 = tpu.memref_slice %arg12[%dma_wait3A_91, %dma_wait3A_92] : memref<100000x8xf32, #tpu.memory_space<vmem_shared>> -> memref<100000x8xf32, #tpu.memory_space<vmem_shared>>
      tpu.wait_indirect_dma semaphore(%arg17 : memref<!tpu.dma_semaphore, #tpu.memory_space<semaphore_mem>>) src(%arg10 : memref<4000x8xf32, #tpu.memory_space<vmem>>) dst(%dma_wait3A_93 : memref<100000x8xf32, #tpu.memory_space<vmem_shared>>)
      %lt3A = arith.constant 24 : i32
      %lt3A_94 = arith.cmpi slt, %scan3A_29, %lt3A : i32
      %convert_element_type3A_95 = arith.extui %lt3A_94 : i1 to i32
      %cond3A_96 = arith.constant 0 : i32
      %cond3A_97 = arith.cmpi ne, %convert_element_type3A_95, %cond3A_96 : i32
      scf.if %cond3A_97 {
        %mul3A_104 = arith.constant 2 : i32
        %mul3A_105 = arith.muli %scan3A_29, %mul3A_104 : i32
        %add3A_106 = arith.constant 2 : i32
        %add3A_107 = arith.addi %mul3A_105, %add3A_106 : i32
        %mul3A_108 = arith.constant 4000 : i32
        %mul3A_109 = arith.muli %add3A_107, %mul3A_108 : i32
        %add3A_110 = arith.addi %mul3A_2, %mul3A_109 : i32
        %dma_start3A_111 = arith.constant 0 : i32
        %dma_start3A_112 = tpu.memref_slice %arg2[%dma_start3A_111, %add3A_110] : memref<2x6400000xi32, #tpu.memory_space<hbm>> -> memref<1x4000xi32, #tpu.memory_space<hbm>>
        %dma_start3A_113 = tpu.memref_squeeze %dma_start3A_112 : memref<1x4000xi32, #tpu.memory_space<hbm>> -> memref<4000xi32, #tpu.memory_space<hbm>>
        %dma_start3A_114 = tpu.memref_slice %arg2[%dma_start3A_111, %add3A_110] : memref<2x6400000xi32, #tpu.memory_space<hbm>> -> memref<1x4000xi32, #tpu.memory_space<hbm>>
        %dma_start3A_115 = tpu.memref_squeeze %dma_start3A_114 : memref<1x4000xi32, #tpu.memory_space<hbm>> -> memref<4000xi32, #tpu.memory_space<hbm>>
        tpu.enqueue_dma source(%dma_start3A_115 : memref<4000xi32, #tpu.memory_space<hbm>>) target(%arg6 : memref<4000xi32, #tpu.memory_space<vmem>>) target_semaphore(%arg13 : memref<!tpu.dma_semaphore, #tpu.memory_space<semaphore_mem>>)
        %dma_start3A_116 = arith.constant 1 : i32
        %dma_start3A_117 = tpu.memref_slice %arg2[%dma_start3A_116, %add3A_110] : memref<2x6400000xi32, #tpu.memory_space<hbm>> -> memref<1x4000xi32, #tpu.memory_space<hbm>>
        %dma_start3A_118 = tpu.memref_squeeze %dma_start3A_117 : memref<1x4000xi32, #tpu.memory_space<hbm>> -> memref<4000xi32, #tpu.memory_space<hbm>>
        %dma_start3A_119 = tpu.memref_slice %arg2[%dma_start3A_116, %add3A_110] : memref<2x6400000xi32, #tpu.memory_space<hbm>> -> memref<1x4000xi32, #tpu.memory_space<hbm>>
        %dma_start3A_120 = tpu.memref_squeeze %dma_start3A_119 : memref<1x4000xi32, #tpu.memory_space<hbm>> -> memref<4000xi32, #tpu.memory_space<hbm>>
        tpu.enqueue_dma source(%dma_start3A_120 : memref<4000xi32, #tpu.memory_space<hbm>>) target(%arg8 : memref<4000xi32, #tpu.memory_space<vmem>>) target_semaphore(%arg13 : memref<!tpu.dma_semaphore, #tpu.memory_space<semaphore_mem>>)
      } else {
      }
      %dma_wait3A_98 = arith.constant 0 : i32
      %dma_wait3A_99 = arith.constant 0 : i32
      %dma_wait3A_100 = tpu.memref_slice %arg3[%dma_wait3A_98, %dma_wait3A_99] : memref<100000x8xf32, #tpu.memory_space<hbm>> -> memref<100000x8xf32, #tpu.memory_space<hbm>>
      tpu.wait_indirect_dma semaphore(%arg16 : memref<!tpu.dma_semaphore, #tpu.memory_space<semaphore_mem>>) src(%dma_wait3A_100 : memref<100000x8xf32, #tpu.memory_space<hbm>>) dst(%arg11 : memref<4000x8xf32, #tpu.memory_space<vmem>>)
      %dma_start3A_101 = arith.constant 0 : i32
      %dma_start3A_102 = arith.constant 0 : i32
      %dma_start3A_103 = tpu.memref_slice %arg12[%dma_start3A_101, %dma_start3A_102] : memref<100000x8xf32, #tpu.memory_space<vmem_shared>> -> memref<100000x8xf32, #tpu.memory_space<vmem_shared>>
      tpu.enqueue_indirect_dma source(%arg11 : memref<4000x8xf32, #tpu.memory_space<vmem>>) target(%dma_start3A_103 : memref<100000x8xf32, #tpu.memory_space<vmem_shared>>) offsets(%arg9 : memref<4000xi32, #tpu.memory_space<vmem>>) semaphore(%arg18 : memref<!tpu.dma_semaphore, #tpu.memory_space<semaphore_mem>>) {add = true}
    }
    %scan3A_20 = arith.constant 25 : i32
    %dma_wait3A = arith.constant 0 : i32
    %dma_wait3A_21 = arith.constant 0 : i32
    %dma_wait3A_22 = tpu.memref_slice %arg12[%dma_wait3A, %dma_wait3A_21] : memref<100000x8xf32, #tpu.memory_space<vmem_shared>> -> memref<100000x8xf32, #tpu.memory_space<vmem_shared>>
    tpu.wait_indirect_dma semaphore(%arg18 : memref<!tpu.dma_semaphore, #tpu.memory_space<semaphore_mem>>) src(%arg11 : memref<4000x8xf32, #tpu.memory_space<vmem>>) dst(%dma_wait3A_22 : memref<100000x8xf32, #tpu.memory_space<vmem_shared>>)
    %barrier3A_23 = arith.constant 0 : index
    tpu.barrier barrier_id(%barrier3A_23)
    %eq3A_24 = arith.constant 0 : i32
    %eq3A_25 = arith.cmpi eq, %arg1, %eq3A_24 : i32
    %convert_element_type3A_26 = arith.extui %eq3A_25 : i1 to i32
    %cond3A_27 = arith.constant 0 : i32
    %cond3A_28 = arith.cmpi ne, %convert_element_type3A_26, %cond3A_27 : i32
    scf.if %cond3A_28 {
      "tpu.region"() ({
        %run_scoped3A = tpu.sem_alloc : memref<!tpu.dma_semaphore, #tpu.memory_space<semaphore_mem>>
        %dma_start3A_29 = arith.constant 0 : i32
        %dma_start3A_30 = arith.constant 0 : i32
        %dma_start3A_31 = tpu.memref_slice %arg5[%arg0, %dma_start3A_29, %dma_start3A_30] : memref<2x100000x8xf32, #tpu.memory_space<hbm>> -> memref<1x100000x8xf32, #tpu.memory_space<hbm>>
        %dma_start3A_32 = tpu.memref_squeeze %dma_start3A_31 : memref<1x100000x8xf32, #tpu.memory_space<hbm>> -> memref<100000x8xf32, #tpu.memory_space<hbm>>
        tpu.enqueue_dma source(%arg12 : memref<100000x8xf32, #tpu.memory_space<vmem_shared>>) target(%dma_start3A_32 : memref<100000x8xf32, #tpu.memory_space<hbm>>) target_semaphore(%run_scoped3A : memref<!tpu.dma_semaphore, #tpu.memory_space<semaphore_mem>>)
        %dma_wait3A_33 = arith.constant 0 : i32
        %dma_wait3A_34 = arith.constant 0 : i32
        %dma_wait3A_35 = tpu.memref_slice %arg5[%arg0, %dma_wait3A_33, %dma_wait3A_34] : memref<2x100000x8xf32, #tpu.memory_space<hbm>> -> memref<1x100000x8xf32, #tpu.memory_space<hbm>>
        %dma_wait3A_36 = tpu.memref_squeeze %dma_wait3A_35 : memref<1x100000x8xf32, #tpu.memory_space<hbm>> -> memref<100000x8xf32, #tpu.memory_space<hbm>>
        tpu.wait_dma2 semaphore(%run_scoped3A : memref<!tpu.dma_semaphore, #tpu.memory_space<semaphore_mem>>) src(%arg12 : memref<100000x8xf32, #tpu.memory_space<vmem_shared>>) dst(%dma_wait3A_36 : memref<100000x8xf32, #tpu.memory_space<hbm>>)
        tpu.yield
      }) : () -> ()
    } else {
    }
    return
  }
}

#map = affine_map<(d0, d1) -> (0, 0)>
#map1 = affine_map<(d0, d1) -> (0, 0, 0)>
module attributes {stable_mosaic.version = 14 : i64} {
  func.func @body(%arg0: i32, %arg1: i32, %arg2: memref<2x6400000xi32, #tpu.memory_space<hbm>>, %arg3: memref<100000x8xf32, #tpu.memory_space<hbm>>, %arg4: memref<100000x8xf32, #tpu.memory_space<hbm>>, %arg5: memref<2x100000x8xf32, #tpu.memory_space<hbm>>, %arg6: memref<4000xi32, #tpu.memory_space<vmem>>, %arg7: memref<4000xi32, #tpu.memory_space<vmem>>, %arg8: memref<4000xi32, #tpu.memory_space<vmem>>, %arg9: memref<4000xi32, #tpu.memory_space<vmem>>, %arg10: memref<4000x8xf32, #tpu.memory_space<vmem>>, %arg11: memref<4000x8xf32, #tpu.memory_space<vmem>>, %arg12: memref<100000x8xf32, #tpu.memory_space<vmem_shared>>, %arg13: memref<!tpu.dma_semaphore, #tpu.memory_space<semaphore_mem>>, %arg14: memref<!tpu.dma_semaphore, #tpu.memory_space<semaphore_mem>>, %arg15: memref<!tpu.dma_semaphore, #tpu.memory_space<semaphore_mem>>, %arg16: memref<!tpu.dma_semaphore, #tpu.memory_space<semaphore_mem>>, %arg17: memref<!tpu.dma_semaphore, #tpu.memory_space<semaphore_mem>>, %arg18: memref<!tpu.dma_semaphore, #tpu.memory_space<semaphore_mem>>) attributes {dimension_semantics = [#tpu.dimension_semantics<core_parallel>, #tpu.dimension_semantics<subcore_parallel>], iteration_bounds = array<i64: 2, 16>, scalar_prefetch = 0 : i64, scratch_operands = 13 : i64, tpu.core_type = #tpu.core_type<sc_vector_subcore>, window_params = [{transform_indices = #map}, {transform_indices = #map}, {transform_indices = #map}, {transform_indices = #map1}]} {
    %mul3A = arith.constant 16 : i32
    %mul3A_0 = arith.muli %arg0, %mul3A : i32
    %add3A = arith.addi %mul3A_0, %arg1 : i32
    %mul3A_1 = arith.constant 200000 : i32
    %mul3A_2 = arith.muli %add3A, %mul3A_1 : i32
    %eq3A = arith.constant 0 : i32
    %eq3A_3 = arith.cmpi eq, %arg1, %eq3A : i32
    %convert_element_type3A = arith.extui %eq3A_3 : i1 to i32
    %cond3A = arith.constant 0 : i32
    %cond3A_4 = arith.cmpi ne, %convert_element_type3A, %cond3A : i32
    scf.if %cond3A_4 {
      "tpu.region"() ({
        %run_scoped3A = tpu.sem_alloc : memref<!tpu.dma_semaphore, #tpu.memory_space<semaphore_mem>>
        tpu.enqueue_dma source(%arg4 : memref<100000x8xf32, #tpu.memory_space<hbm>>) target(%arg12 : memref<100000x8xf32, #tpu.memory_space<vmem_shared>>) target_semaphore(%run_scoped3A : memref<!tpu.dma_semaphore, #tpu.memory_space<semaphore_mem>>)
        tpu.wait_dma2 semaphore(%run_scoped3A : memref<!tpu.dma_semaphore, #tpu.memory_space<semaphore_mem>>) src(%arg4 : memref<100000x8xf32, #tpu.memory_space<hbm>>) dst(%arg12 : memref<100000x8xf32, #tpu.memory_space<vmem_shared>>)
        tpu.yield
      }) : () -> ()
    } else {
    }
    %barrier3A = arith.constant 0 : index
    tpu.barrier barrier_id(%barrier3A)
    %add3A_5 = arith.constant 0 : i32
    %add3A_6 = arith.addi %mul3A_2, %add3A_5 : i32
    %dma_start3A = arith.constant 0 : i32
    %dma_start3A_7 = tpu.memref_slice %arg2[%dma_start3A, %add3A_6] : memref<2x6400000xi32, #tpu.memory_space<hbm>> -> memref<1x4000xi32, #tpu.memory_space<hbm>>
    %dma_start3A_8 = tpu.memref_squeeze %dma_start3A_7 : memref<1x4000xi32, #tpu.memory_space<hbm>> -> memref<4000xi32, #tpu.memory_space<hbm>>
    %dma_start3A_9 = tpu.memref_slice %arg2[%dma_start3A, %add3A_6] : memref<2x6400000xi32, #tpu.memory_space<hbm>> -> memref<1x4000xi32, #tpu.memory_space<hbm>>
    %dma_start3A_10 = tpu.memref_squeeze %dma_start3A_9 : memref<1x4000xi32, #tpu.memory_space<hbm>> -> memref<4000xi32, #tpu.memory_space<hbm>>
    tpu.enqueue_dma source(%dma_start3A_10 : memref<4000xi32, #tpu.memory_space<hbm>>) target(%arg6 : memref<4000xi32, #tpu.memory_space<vmem>>) target_semaphore(%arg13 : memref<!tpu.dma_semaphore, #tpu.memory_space<semaphore_mem>>)
    %dma_start3A_11 = arith.constant 1 : i32
    %dma_start3A_12 = tpu.memref_slice %arg2[%dma_start3A_11, %add3A_6] : memref<2x6400000xi32, #tpu.memory_space<hbm>> -> memref<1x4000xi32, #tpu.memory_space<hbm>>
    %dma_start3A_13 = tpu.memref_squeeze %dma_start3A_12 : memref<1x4000xi32, #tpu.memory_space<hbm>> -> memref<4000xi32, #tpu.memory_space<hbm>>
    %dma_start3A_14 = tpu.memref_slice %arg2[%dma_start3A_11, %add3A_6] : memref<2x6400000xi32, #tpu.memory_space<hbm>> -> memref<1x4000xi32, #tpu.memory_space<hbm>>
    %dma_start3A_15 = tpu.memref_squeeze %dma_start3A_14 : memref<1x4000xi32, #tpu.memory_space<hbm>> -> memref<4000xi32, #tpu.memory_space<hbm>>
    tpu.enqueue_dma source(%dma_start3A_15 : memref<4000xi32, #tpu.memory_space<hbm>>) target(%arg8 : memref<4000xi32, #tpu.memory_space<vmem>>) target_semaphore(%arg13 : memref<!tpu.dma_semaphore, #tpu.memory_space<semaphore_mem>>)
    %scan3A = arith.constant 0 : i32
    %scan3A_16 = arith.constant 0 : i32
    %scan3A_17 = arith.constant 25 : i32
    %scan3A_18 = arith.addi %scan3A_16, %scan3A_17 : i32
    %scan3A_19 = arith.constant 1 : i32
    scf.for %scan3A_29 = %scan3A_16 to %scan3A_18 step %scan3A_19  : i32 {
      %dma_wait3A_30 = arith.constant 0 : i32
      %dma_wait3A_31 = arith.constant 0 : i32
      %dma_wait3A_32 = tpu.memref_slice %arg2[%dma_wait3A_30, %dma_wait3A_31] : memref<2x6400000xi32, #tpu.memory_space<hbm>> -> memref<1x4000xi32, #tpu.memory_space<hbm>>
      %dma_wait3A_33 = tpu.memref_squeeze %dma_wait3A_32 : memref<1x4000xi32, #tpu.memory_space<hbm>> -> memref<4000xi32, #tpu.memory_space<hbm>>
      %dma_wait3A_34 = arith.constant 0 : i32
      %dma_wait3A_35 = tpu.memref_slice %arg2[%dma_wait3A_30, %dma_wait3A_34] : memref<2x6400000xi32, #tpu.memory_space<hbm>> -> memref<1x4000xi32, #tpu.memory_space<hbm>>
      %dma_wait3A_36 = tpu.memref_squeeze %dma_wait3A_35 : memref<1x4000xi32, #tpu.memory_space<hbm>> -> memref<4000xi32, #tpu.memory_space<hbm>>
      tpu.wait_dma2 semaphore(%arg13 : memref<!tpu.dma_semaphore, #tpu.memory_space<semaphore_mem>>) src(%dma_wait3A_36 : memref<4000xi32, #tpu.memory_space<hbm>>) dst(%arg6 : memref<4000xi32, #tpu.memory_space<vmem>>)
      %dma_wait3A_37 = arith.constant 1 : i32
      %dma_wait3A_38 = arith.constant 0 : i32
      %dma_wait3A_39 = tpu.memref_slice %arg2[%dma_wait3A_37, %dma_wait3A_38] : memref<2x6400000xi32, #tpu.memory_space<hbm>> -> memref<1x4000xi32, #tpu.memory_space<hbm>>
      %dma_wait3A_40 = tpu.memref_squeeze %dma_wait3A_39 : memref<1x4000xi32, #tpu.memory_space<hbm>> -> memref<4000xi32, #tpu.memory_space<hbm>>
      %dma_wait3A_41 = arith.constant 0 : i32
      %dma_wait3A_42 = tpu.memref_slice %arg2[%dma_wait3A_37, %dma_wait3A_41] : memref<2x6400000xi32, #tpu.memory_space<hbm>> -> memref<1x4000xi32, #tpu.memory_space<hbm>>
      %dma_wait3A_43 = tpu.memref_squeeze %dma_wait3A_42 : memref<1x4000xi32, #tpu.memory_space<hbm>> -> memref<4000xi32, #tpu.memory_space<hbm>>
      tpu.wait_dma2 semaphore(%arg13 : memref<!tpu.dma_semaphore, #tpu.memory_space<semaphore_mem>>) src(%dma_wait3A_43 : memref<4000xi32, #tpu.memory_space<hbm>>) dst(%arg8 : memref<4000xi32, #tpu.memory_space<vmem>>)
      %dma_start3A_44 = arith.constant 0 : i32
      %dma_start3A_45 = arith.constant 0 : i32
      %dma_start3A_46 = tpu.memref_slice %arg3[%dma_start3A_44, %dma_start3A_45] : memref<100000x8xf32, #tpu.memory_space<hbm>> -> memref<100000x8xf32, #tpu.memory_space<hbm>>
      tpu.enqueue_indirect_dma source(%dma_start3A_46 : memref<100000x8xf32, #tpu.memory_space<hbm>>) target(%arg10 : memref<4000x8xf32, #tpu.memory_space<vmem>>) offsets(%arg6 : memref<4000xi32, #tpu.memory_space<vmem>>) semaphore(%arg15 : memref<!tpu.dma_semaphore, #tpu.memory_space<semaphore_mem>>)
      %ge3A = arith.constant 1 : i32
      %ge3A_47 = arith.cmpi sge, %scan3A_29, %ge3A : i32
      %convert_element_type3A_48 = arith.extui %ge3A_47 : i1 to i32
      %cond3A_49 = arith.constant 0 : i32
      %cond3A_50 = arith.cmpi ne, %convert_element_type3A_48, %cond3A_49 : i32
      scf.if %cond3A_50 {
        %dma_wait3A_104 = arith.constant 0 : i32
        %dma_wait3A_105 = arith.constant 0 : i32
        %dma_wait3A_106 = tpu.memref_slice %arg12[%dma_wait3A_104, %dma_wait3A_105] : memref<100000x8xf32, #tpu.memory_space<vmem_shared>> -> memref<100000x8xf32, #tpu.memory_space<vmem_shared>>
        tpu.wait_indirect_dma semaphore(%arg18 : memref<!tpu.dma_semaphore, #tpu.memory_space<semaphore_mem>>) src(%arg11 : memref<4000x8xf32, #tpu.memory_space<vmem>>) dst(%dma_wait3A_106 : memref<100000x8xf32, #tpu.memory_space<vmem_shared>>)
      } else {
      }
      %mul3A_51 = arith.constant 2 : i32
      %mul3A_52 = arith.muli %scan3A_29, %mul3A_51 : i32
      %add3A_53 = arith.constant 1 : i32
      %add3A_54 = arith.addi %mul3A_52, %add3A_53 : i32
      %mul3A_55 = arith.constant 4000 : i32
      %mul3A_56 = arith.muli %add3A_54, %mul3A_55 : i32
      %add3A_57 = arith.addi %mul3A_2, %mul3A_56 : i32
      %dma_start3A_58 = arith.constant 0 : i32
      %dma_start3A_59 = tpu.memref_slice %arg2[%dma_start3A_58, %add3A_57] : memref<2x6400000xi32, #tpu.memory_space<hbm>> -> memref<1x4000xi32, #tpu.memory_space<hbm>>
      %dma_start3A_60 = tpu.memref_squeeze %dma_start3A_59 : memref<1x4000xi32, #tpu.memory_space<hbm>> -> memref<4000xi32, #tpu.memory_space<hbm>>
      %dma_start3A_61 = tpu.memref_slice %arg2[%dma_start3A_58, %add3A_57] : memref<2x6400000xi32, #tpu.memory_space<hbm>> -> memref<1x4000xi32, #tpu.memory_space<hbm>>
      %dma_start3A_62 = tpu.memref_squeeze %dma_start3A_61 : memref<1x4000xi32, #tpu.memory_space<hbm>> -> memref<4000xi32, #tpu.memory_space<hbm>>
      tpu.enqueue_dma source(%dma_start3A_62 : memref<4000xi32, #tpu.memory_space<hbm>>) target(%arg7 : memref<4000xi32, #tpu.memory_space<vmem>>) target_semaphore(%arg14 : memref<!tpu.dma_semaphore, #tpu.memory_space<semaphore_mem>>)
      %dma_start3A_63 = arith.constant 1 : i32
      %dma_start3A_64 = tpu.memref_slice %arg2[%dma_start3A_63, %add3A_57] : memref<2x6400000xi32, #tpu.memory_space<hbm>> -> memref<1x4000xi32, #tpu.memory_space<hbm>>
      %dma_start3A_65 = tpu.memref_squeeze %dma_start3A_64 : memref<1x4000xi32, #tpu.memory_space<hbm>> -> memref<4000xi32, #tpu.memory_space<hbm>>
      %dma_start3A_66 = tpu.memref_slice %arg2[%dma_start3A_63, %add3A_57] : memref<2x6400000xi32, #tpu.memory_space<hbm>> -> memref<1x4000xi32, #tpu.memory_space<hbm>>
      %dma_start3A_67 = tpu.memref_squeeze %dma_start3A_66 : memref<1x4000xi32, #tpu.memory_space<hbm>> -> memref<4000xi32, #tpu.memory_space<hbm>>
      tpu.enqueue_dma source(%dma_start3A_67 : memref<4000xi32, #tpu.memory_space<hbm>>) target(%arg9 : memref<4000xi32, #tpu.memory_space<vmem>>) target_semaphore(%arg14 : memref<!tpu.dma_semaphore, #tpu.memory_space<semaphore_mem>>)
      %dma_wait3A_68 = arith.constant 0 : i32
      %dma_wait3A_69 = arith.constant 0 : i32
      %dma_wait3A_70 = tpu.memref_slice %arg3[%dma_wait3A_68, %dma_wait3A_69] : memref<100000x8xf32, #tpu.memory_space<hbm>> -> memref<100000x8xf32, #tpu.memory_space<hbm>>
      tpu.wait_indirect_dma semaphore(%arg15 : memref<!tpu.dma_semaphore, #tpu.memory_space<semaphore_mem>>) src(%dma_wait3A_70 : memref<100000x8xf32, #tpu.memory_space<hbm>>) dst(%arg10 : memref<4000x8xf32, #tpu.memory_space<vmem>>)
      %dma_start3A_71 = arith.constant 0 : i32
      %dma_start3A_72 = arith.constant 0 : i32
      %dma_start3A_73 = tpu.memref_slice %arg12[%dma_start3A_71, %dma_start3A_72] : memref<100000x8xf32, #tpu.memory_space<vmem_shared>> -> memref<100000x8xf32, #tpu.memory_space<vmem_shared>>
      tpu.enqueue_indirect_dma source(%arg10 : memref<4000x8xf32, #tpu.memory_space<vmem>>) target(%dma_start3A_73 : memref<100000x8xf32, #tpu.memory_space<vmem_shared>>) offsets(%arg8 : memref<4000xi32, #tpu.memory_space<vmem>>) semaphore(%arg17 : memref<!tpu.dma_semaphore, #tpu.memory_space<semaphore_mem>>) {add = true}
      %dma_wait3A_74 = arith.constant 0 : i32
      %dma_wait3A_75 = arith.constant 0 : i32
      %dma_wait3A_76 = tpu.memref_slice %arg2[%dma_wait3A_74, %dma_wait3A_75] : memref<2x6400000xi32, #tpu.memory_space<hbm>> -> memref<1x4000xi32, #tpu.memory_space<hbm>>
      %dma_wait3A_77 = tpu.memref_squeeze %dma_wait3A_76 : memref<1x4000xi32, #tpu.memory_space<hbm>> -> memref<4000xi32, #tpu.memory_space<hbm>>
      %dma_wait3A_78 = arith.constant 0 : i32
      %dma_wait3A_79 = tpu.memref_slice %arg2[%dma_wait3A_74, %dma_wait3A_78] : memref<2x6400000xi32, #tpu.memory_space<hbm>> -> memref<1x4000xi32, #tpu.memory_space<hbm>>
      %dma_wait3A_80 = tpu.memref_squeeze %dma_wait3A_79 : memref<1x4000xi32, #tpu.memory_space<hbm>> -> memref<4000xi32, #tpu.memory_space<hbm>>
      tpu.wait_dma2 semaphore(%arg14 : memref<!tpu.dma_semaphore, #tpu.memory_space<semaphore_mem>>) src(%dma_wait3A_80 : memref<4000xi32, #tpu.memory_space<hbm>>) dst(%arg7 : memref<4000xi32, #tpu.memory_space<vmem>>)
      %dma_wait3A_81 = arith.constant 1 : i32
      %dma_wait3A_82 = arith.constant 0 : i32
      %dma_wait3A_83 = tpu.memref_slice %arg2[%dma_wait3A_81, %dma_wait3A_82] : memref<2x6400000xi32, #tpu.memory_space<hbm>> -> memref<1x4000xi32, #tpu.memory_space<hbm>>
      %dma_wait3A_84 = tpu.memref_squeeze %dma_wait3A_83 : memref<1x4000xi32, #tpu.memory_space<hbm>> -> memref<4000xi32, #tpu.memory_space<hbm>>
      %dma_wait3A_85 = arith.constant 0 : i32
      %dma_wait3A_86 = tpu.memref_slice %arg2[%dma_wait3A_81, %dma_wait3A_85] : memref<2x6400000xi32, #tpu.memory_space<hbm>> -> memref<1x4000xi32, #tpu.memory_space<hbm>>
      %dma_wait3A_87 = tpu.memref_squeeze %dma_wait3A_86 : memref<1x4000xi32, #tpu.memory_space<hbm>> -> memref<4000xi32, #tpu.memory_space<hbm>>
      tpu.wait_dma2 semaphore(%arg14 : memref<!tpu.dma_semaphore, #tpu.memory_space<semaphore_mem>>) src(%dma_wait3A_87 : memref<4000xi32, #tpu.memory_space<hbm>>) dst(%arg9 : memref<4000xi32, #tpu.memory_space<vmem>>)
      %dma_start3A_88 = arith.constant 0 : i32
      %dma_start3A_89 = arith.constant 0 : i32
      %dma_start3A_90 = tpu.memref_slice %arg3[%dma_start3A_88, %dma_start3A_89] : memref<100000x8xf32, #tpu.memory_space<hbm>> -> memref<100000x8xf32, #tpu.memory_space<hbm>>
      tpu.enqueue_indirect_dma source(%dma_start3A_90 : memref<100000x8xf32, #tpu.memory_space<hbm>>) target(%arg11 : memref<4000x8xf32, #tpu.memory_space<vmem>>) offsets(%arg7 : memref<4000xi32, #tpu.memory_space<vmem>>) semaphore(%arg16 : memref<!tpu.dma_semaphore, #tpu.memory_space<semaphore_mem>>)
      %dma_wait3A_91 = arith.constant 0 : i32
      %dma_wait3A_92 = arith.constant 0 : i32
      %dma_wait3A_93 = tpu.memref_slice %arg12[%dma_wait3A_91, %dma_wait3A_92] : memref<100000x8xf32, #tpu.memory_space<vmem_shared>> -> memref<100000x8xf32, #tpu.memory_space<vmem_shared>>
      tpu.wait_indirect_dma semaphore(%arg17 : memref<!tpu.dma_semaphore, #tpu.memory_space<semaphore_mem>>) src(%arg10 : memref<4000x8xf32, #tpu.memory_space<vmem>>) dst(%dma_wait3A_93 : memref<100000x8xf32, #tpu.memory_space<vmem_shared>>)
      %lt3A = arith.constant 24 : i32
      %lt3A_94 = arith.cmpi slt, %scan3A_29, %lt3A : i32
      %convert_element_type3A_95 = arith.extui %lt3A_94 : i1 to i32
      %cond3A_96 = arith.constant 0 : i32
      %cond3A_97 = arith.cmpi ne, %convert_element_type3A_95, %cond3A_96 : i32
      scf.if %cond3A_97 {
        %mul3A_104 = arith.constant 2 : i32
        %mul3A_105 = arith.muli %scan3A_29, %mul3A_104 : i32
        %add3A_106 = arith.constant 2 : i32
        %add3A_107 = arith.addi %mul3A_105, %add3A_106 : i32
        %mul3A_108 = arith.constant 4000 : i32
        %mul3A_109 = arith.muli %add3A_107, %mul3A_108 : i32
        %add3A_110 = arith.addi %mul3A_2, %mul3A_109 : i32
        %dma_start3A_111 = arith.constant 0 : i32
        %dma_start3A_112 = tpu.memref_slice %arg2[%dma_start3A_111, %add3A_110] : memref<2x6400000xi32, #tpu.memory_space<hbm>> -> memref<1x4000xi32, #tpu.memory_space<hbm>>
        %dma_start3A_113 = tpu.memref_squeeze %dma_start3A_112 : memref<1x4000xi32, #tpu.memory_space<hbm>> -> memref<4000xi32, #tpu.memory_space<hbm>>
        %dma_start3A_114 = tpu.memref_slice %arg2[%dma_start3A_111, %add3A_110] : memref<2x6400000xi32, #tpu.memory_space<hbm>> -> memref<1x4000xi32, #tpu.memory_space<hbm>>
        %dma_start3A_115 = tpu.memref_squeeze %dma_start3A_114 : memref<1x4000xi32, #tpu.memory_space<hbm>> -> memref<4000xi32, #tpu.memory_space<hbm>>
        tpu.enqueue_dma source(%dma_start3A_115 : memref<4000xi32, #tpu.memory_space<hbm>>) target(%arg6 : memref<4000xi32, #tpu.memory_space<vmem>>) target_semaphore(%arg13 : memref<!tpu.dma_semaphore, #tpu.memory_space<semaphore_mem>>)
        %dma_start3A_116 = arith.constant 1 : i32
        %dma_start3A_117 = tpu.memref_slice %arg2[%dma_start3A_116, %add3A_110] : memref<2x6400000xi32, #tpu.memory_space<hbm>> -> memref<1x4000xi32, #tpu.memory_space<hbm>>
        %dma_start3A_118 = tpu.memref_squeeze %dma_start3A_117 : memref<1x4000xi32, #tpu.memory_space<hbm>> -> memref<4000xi32, #tpu.memory_space<hbm>>
        %dma_start3A_119 = tpu.memref_slice %arg2[%dma_start3A_116, %add3A_110] : memref<2x6400000xi32, #tpu.memory_space<hbm>> -> memref<1x4000xi32, #tpu.memory_space<hbm>>
        %dma_start3A_120 = tpu.memref_squeeze %dma_start3A_119 : memref<1x4000xi32, #tpu.memory_space<hbm>> -> memref<4000xi32, #tpu.memory_space<hbm>>
        tpu.enqueue_dma source(%dma_start3A_120 : memref<4000xi32, #tpu.memory_space<hbm>>) target(%arg8 : memref<4000xi32, #tpu.memory_space<vmem>>) target_semaphore(%arg13 : memref<!tpu.dma_semaphore, #tpu.memory_space<semaphore_mem>>)
      } else {
      }
      %dma_wait3A_98 = arith.constant 0 : i32
      %dma_wait3A_99 = arith.constant 0 : i32
      %dma_wait3A_100 = tpu.memref_slice %arg3[%dma_wait3A_98, %dma_wait3A_99] : memref<100000x8xf32, #tpu.memory_space<hbm>> -> memref<100000x8xf32, #tpu.memory_space<hbm>>
      tpu.wait_indirect_dma semaphore(%arg16 : memref<!tpu.dma_semaphore, #tpu.memory_space<semaphore_mem>>) src(%dma_wait3A_100 : memref<100000x8xf32, #tpu.memory_space<hbm>>) dst(%arg11 : memref<4000x8xf32, #tpu.memory_space<vmem>>)
      %dma_start3A_101 = arith.constant 0 : i32
      %dma_start3A_102 = arith.constant 0 : i32
      %dma_start3A_103 = tpu.memref_slice %arg12[%dma_start3A_101, %dma_start3A_102] : memref<100000x8xf32, #tpu.memory_space<vmem_shared>> -> memref<100000x8xf32, #tpu.memory_space<vmem_shared>>
      tpu.enqueue_indirect_dma source(%arg11 : memref<4000x8xf32, #tpu.memory_space<vmem>>) target(%dma_start3A_103 : memref<100000x8xf32, #tpu.memory_space<vmem_shared>>) offsets(%arg9 : memref<4000xi32, #tpu.memory_space<vmem>>) semaphore(%arg18 : memref<!tpu.dma_semaphore, #tpu.memory_space<semaphore_mem>>) {add = true}
    }
    %scan3A_20 = arith.constant 25 : i32
    %dma_wait3A = arith.constant 0 : i32
    %dma_wait3A_21 = arith.constant 0 : i32
    %dma_wait3A_22 = tpu.memref_slice %arg12[%dma_wait3A, %dma_wait3A_21] : memref<100000x8xf32, #tpu.memory_space<vmem_shared>> -> memref<100000x8xf32, #tpu.memory_space<vmem_shared>>
    tpu.wait_indirect_dma semaphore(%arg18 : memref<!tpu.dma_semaphore, #tpu.memory_space<semaphore_mem>>) src(%arg11 : memref<4000x8xf32, #tpu.memory_space<vmem>>) dst(%dma_wait3A_22 : memref<100000x8xf32, #tpu.memory_space<vmem_shared>>)
    %barrier3A_23 = arith.constant 0 : index
    tpu.barrier barrier_id(%barrier3A_23)
    %eq3A_24 = arith.constant 0 : i32
    %eq3A_25 = arith.cmpi eq, %arg1, %eq3A_24 : i32
    %convert_element_type3A_26 = arith.extui %eq3A_25 : i1 to i32
    %cond3A_27 = arith.constant 0 : i32
    %cond3A_28 = arith.cmpi ne, %convert_element_type3A_26, %cond3A_27 : i32
    scf.if %cond3A_28 {
      "tpu.region"() ({
        %run_scoped3A = tpu.sem_alloc : memref<!tpu.dma_semaphore, #tpu.memory_space<semaphore_mem>>
        %dma_start3A_29 = arith.constant 0 : i32
        %dma_start3A_30 = arith.constant 0 : i32
        %dma_start3A_31 = tpu.memref_slice %arg5[%arg0, %dma_start3A_29, %dma_start3A_30] : memref<2x100000x8xf32, #tpu.memory_space<hbm>> -> memref<1x100000x8xf32, #tpu.memory_space<hbm>>
        %dma_start3A_32 = tpu.memref_squeeze %dma_start3A_31 : memref<1x100000x8xf32, #tpu.memory_space<hbm>> -> memref<100000x8xf32, #tpu.memory_space<hbm>>
        tpu.enqueue_dma source(%arg12 : memref<100000x8xf32, #tpu.memory_space<vmem_shared>>) target(%dma_start3A_32 : memref<100000x8xf32, #tpu.memory_space<hbm>>) target_semaphore(%run_scoped3A : memref<!tpu.dma_semaphore, #tpu.memory_space<semaphore_mem>>)
        %dma_wait3A_33 = arith.constant 0 : i32
        %dma_wait3A_34 = arith.constant 0 : i32
        %dma_wait3A_35 = tpu.memref_slice %arg5[%arg0, %dma_wait3A_33, %dma_wait3A_34] : memref<2x100000x8xf32, #tpu.memory_space<hbm>> -> memref<1x100000x8xf32, #tpu.memory_space<hbm>>
        %dma_wait3A_36 = tpu.memref_squeeze %dma_wait3A_35 : memref<1x100000x8xf32, #tpu.memory_space<hbm>> -> memref<100000x8xf32, #tpu.memory_space<hbm>>
        tpu.wait_dma2 semaphore(%run_scoped3A : memref<!tpu.dma_semaphore, #tpu.memory_space<semaphore_mem>>) src(%arg12 : memref<100000x8xf32, #tpu.memory_space<vmem_shared>>) dst(%dma_wait3A_36 : memref<100000x8xf32, #tpu.memory_space<hbm>>)
        tpu.yield
      }) : () -> ()
    } else {
    }
    return
  }
}

module attributes {stable_mosaic.version = 14 : i64} {
  func.func @_tc1_body(%arg0: memref<2x6250x128xf32, #tpu.memory_space<vmem>>, %arg1: memref<6250x128xf32, #tpu.memory_space<vmem>>, %arg2: memref<6250x128xf32, #tpu.memory_space<vmem>>, %arg3: memref<6250x128xf32, #tpu.memory_space<vmem>>) attributes {dimension_semantics = [], scalar_prefetch = 0 : i64, scratch_operands = 0 : i64, tpu.core_type = #tpu.core_type<tc>} {
    %get3A = arith.constant 0 : index
    %get3A_0 = arith.constant 0 : index
    %get3A_1 = arith.constant 0 : index
    %get3A_2 = vector.load %arg0[%get3A, %get3A_0, %get3A_1] : memref<2x6250x128xf32, #tpu.memory_space<vmem>>, vector<1x6250x128xf32>
    %get3A_3 = vector.shape_cast %get3A_2 : vector<1x6250x128xf32> to vector<6250x128xf32>
    %get3A_4 = arith.constant 1 : index
    %get3A_5 = arith.constant 0 : index
    %get3A_6 = arith.constant 0 : index
    %get3A_7 = vector.load %arg0[%get3A_4, %get3A_5, %get3A_6] : memref<2x6250x128xf32, #tpu.memory_space<vmem>>, vector<1x6250x128xf32>
    %get3A_8 = vector.shape_cast %get3A_7 : vector<1x6250x128xf32> to vector<6250x128xf32>
    %add3A = arith.addf %get3A_3, %get3A_8 : vector<6250x128xf32>
    %add3A_9 = arith.constant 1.000000e+00 : f32
    %add3A_10 = vector.broadcast %add3A_9 : f32 to vector<6250x128xf32>
    %add3A_11 = arith.addf %add3A, %add3A_10 : vector<6250x128xf32>
    %rsqrt3A = math.rsqrt %add3A_11 : vector<6250x128xf32>
    %swap3A = arith.constant 0 : index
    %swap3A_12 = arith.constant 0 : index
    %swap3A_13 = vector.load %arg2[%swap3A, %swap3A_12] : memref<6250x128xf32, #tpu.memory_space<vmem>>, vector<6250x128xf32>
    tpu.vector_store %arg2[%swap3A, %swap3A_12], %rsqrt3A {strides = array<i32>} : memref<6250x128xf32, #tpu.memory_space<vmem>>, vector<6250x128xf32>,
    %get3A_14 = arith.constant 0 : index
    %get3A_15 = arith.constant 0 : index
    %get3A_16 = vector.load %arg1[%get3A_14, %get3A_15] : memref<6250x128xf32, #tpu.memory_space<vmem>>, vector<6250x128xf32>
    %mul3A = arith.mulf %rsqrt3A, %get3A_16 : vector<6250x128xf32>
    %swap3A_17 = arith.constant 0 : index
    %swap3A_18 = arith.constant 0 : index
    %swap3A_19 = vector.load %arg3[%swap3A_17, %swap3A_18] : memref<6250x128xf32, #tpu.memory_space<vmem>>, vector<6250x128xf32>
    tpu.vector_store %arg3[%swap3A_17, %swap3A_18], %mul3A {strides = array<i32>} : memref<6250x128xf32, #tpu.memory_space<vmem>>, vector<6250x128xf32>,
    return
  }
}

module attributes {stable_mosaic.version = 14 : i64} {
  func.func @_tc2_body(%arg0: memref<6250x128xf32, #tpu.memory_space<vmem>>, %arg1: memref<2x6250x128xf32, #tpu.memory_space<vmem>>, %arg2: memref<6250x128xf32, #tpu.memory_space<vmem>>, %arg3: memref<128x128xf32, #tpu.memory_space<vmem>>, %arg4: memref<1x128xf32, #tpu.memory_space<vmem>>, %arg5: memref<6250x128xf32, #tpu.memory_space<vmem>>, %arg6: memref<6250x128xf32, #tpu.memory_space<vmem>>) attributes {dimension_semantics = [], scalar_prefetch = 0 : i64, scratch_operands = 0 : i64, tpu.core_type = #tpu.core_type<tc>} {
    %get3A = arith.constant 0 : index
    %get3A_0 = arith.constant 0 : index
    %get3A_1 = vector.load %arg0[%get3A, %get3A_0] : memref<6250x128xf32, #tpu.memory_space<vmem>>, vector<6250x128xf32>
    %get3A_2 = arith.constant 0 : index
    %get3A_3 = arith.constant 0 : index
    %get3A_4 = arith.constant 0 : index
    %get3A_5 = vector.load %arg1[%get3A_2, %get3A_3, %get3A_4] : memref<2x6250x128xf32, #tpu.memory_space<vmem>>, vector<1x6250x128xf32>
    %get3A_6 = vector.shape_cast %get3A_5 : vector<1x6250x128xf32> to vector<6250x128xf32>
    %get3A_7 = arith.constant 1 : index
    %get3A_8 = arith.constant 0 : index
    %get3A_9 = arith.constant 0 : index
    %get3A_10 = vector.load %arg1[%get3A_7, %get3A_8, %get3A_9] : memref<2x6250x128xf32, #tpu.memory_space<vmem>>, vector<1x6250x128xf32>
    %get3A_11 = vector.shape_cast %get3A_10 : vector<1x6250x128xf32> to vector<6250x128xf32>
    %add3A = arith.addf %get3A_6, %get3A_11 : vector<6250x128xf32>
    %mul3A = arith.mulf %get3A_1, %add3A : vector<6250x128xf32>
    %mul3A_12 = arith.mulf %get3A_1, %get3A_1 : vector<6250x128xf32>
    %get3A_13 = arith.constant 0 : index
    %get3A_14 = arith.constant 0 : index
    %get3A_15 = vector.load %arg2[%get3A_13, %get3A_14] : memref<6250x128xf32, #tpu.memory_space<vmem>>, vector<6250x128xf32>
    %mul3A_16 = arith.mulf %mul3A_12, %get3A_15 : vector<6250x128xf32>
    %add3A_17 = arith.addf %mul3A, %mul3A_16 : vector<6250x128xf32>
    %get3A_18 = arith.constant 0 : index
    %get3A_19 = arith.constant 0 : index
    %get3A_20 = vector.load %arg3[%get3A_18, %get3A_19] : memref<128x128xf32, #tpu.memory_space<vmem>>, vector<128x128xf32>
    %dot_general3A = arith.constant dense<0.000000e+00> : vector<6250x128xf32>
    %dot_general3A_21 = tpu.matmul %add3A_17, %get3A_20, %dot_general3A {dimension_numbers = #tpu.dot_dimension_numbers<[1], [0], [0], [1], [0, 0, 1, 1], [], []>, transpose_lhs_hint = false} : vector<6250x128xf32>, vector<128x128xf32>, vector<6250x128xf32> -> vector<6250x128xf32>
    %get3A_22 = arith.constant 0 : index
    %get3A_23 = arith.constant 0 : index
    %get3A_24 = vector.load %arg4[%get3A_22, %get3A_23] : memref<1x128xf32, #tpu.memory_space<vmem>>, vector<1x128xf32>
    %add3A_25 = vector.broadcast %get3A_24 : vector<1x128xf32> to vector<6250x128xf32>
    %add3A_26 = arith.addf %dot_general3A_21, %add3A_25 : vector<6250x128xf32>
    %max3A = arith.constant 0.000000e+00 : f32
    %max3A_27 = vector.broadcast %max3A : f32 to vector<6250x128xf32>
    %max3A_28 = arith.maximumf %add3A_26, %max3A_27 : vector<6250x128xf32>
    %swap3A = arith.constant 0 : index
    %swap3A_29 = arith.constant 0 : index
    %swap3A_30 = vector.load %arg5[%swap3A, %swap3A_29] : memref<6250x128xf32, #tpu.memory_space<vmem>>, vector<6250x128xf32>
    tpu.vector_store %arg5[%swap3A, %swap3A_29], %max3A_28 {strides = array<i32>} : memref<6250x128xf32, #tpu.memory_space<vmem>>, vector<6250x128xf32>,
    %mul3A_31 = arith.mulf %get3A_1, %max3A_28 : vector<6250x128xf32>
    %swap3A_32 = arith.constant 0 : index
    %swap3A_33 = arith.constant 0 : index
    %swap3A_34 = vector.load %arg6[%swap3A_32, %swap3A_33] : memref<6250x128xf32, #tpu.memory_space<vmem>>, vector<6250x128xf32>
    tpu.vector_store %arg6[%swap3A_32, %swap3A_33], %mul3A_31 {strides = array<i32>} : memref<6250x128xf32, #tpu.memory_space<vmem>>, vector<6250x128xf32>,
    return
  }
}

module attributes {stable_mosaic.version = 14 : i64} {
  func.func @_tc3_body(%arg0: memref<6250x128xf32, #tpu.memory_space<vmem>>, %arg1: memref<2x6250x128xf32, #tpu.memory_space<vmem>>, %arg2: memref<6250x128xf32, #tpu.memory_space<vmem>>, %arg3: memref<128x128xf32, #tpu.memory_space<vmem>>, %arg4: memref<1x128xf32, #tpu.memory_space<vmem>>, %arg5: memref<6250x128xf32, #tpu.memory_space<vmem>>) attributes {dimension_semantics = [], scalar_prefetch = 0 : i64, scratch_operands = 0 : i64, tpu.core_type = #tpu.core_type<tc>} {
    %get3A = arith.constant 0 : index
    %get3A_0 = arith.constant 0 : index
    %get3A_1 = vector.load %arg0[%get3A, %get3A_0] : memref<6250x128xf32, #tpu.memory_space<vmem>>, vector<6250x128xf32>
    %get3A_2 = arith.constant 0 : index
    %get3A_3 = arith.constant 0 : index
    %get3A_4 = arith.constant 0 : index
    %get3A_5 = vector.load %arg1[%get3A_2, %get3A_3, %get3A_4] : memref<2x6250x128xf32, #tpu.memory_space<vmem>>, vector<1x6250x128xf32>
    %get3A_6 = vector.shape_cast %get3A_5 : vector<1x6250x128xf32> to vector<6250x128xf32>
    %get3A_7 = arith.constant 1 : index
    %get3A_8 = arith.constant 0 : index
    %get3A_9 = arith.constant 0 : index
    %get3A_10 = vector.load %arg1[%get3A_7, %get3A_8, %get3A_9] : memref<2x6250x128xf32, #tpu.memory_space<vmem>>, vector<1x6250x128xf32>
    %get3A_11 = vector.shape_cast %get3A_10 : vector<1x6250x128xf32> to vector<6250x128xf32>
    %add3A = arith.addf %get3A_6, %get3A_11 : vector<6250x128xf32>
    %mul3A = arith.mulf %get3A_1, %add3A : vector<6250x128xf32>
    %mul3A_12 = arith.mulf %get3A_1, %get3A_1 : vector<6250x128xf32>
    %get3A_13 = arith.constant 0 : index
    %get3A_14 = arith.constant 0 : index
    %get3A_15 = vector.load %arg2[%get3A_13, %get3A_14] : memref<6250x128xf32, #tpu.memory_space<vmem>>, vector<6250x128xf32>
    %mul3A_16 = arith.mulf %mul3A_12, %get3A_15 : vector<6250x128xf32>
    %add3A_17 = arith.addf %mul3A, %mul3A_16 : vector<6250x128xf32>
    %get3A_18 = arith.constant 0 : index
    %get3A_19 = arith.constant 0 : index
    %get3A_20 = vector.load %arg3[%get3A_18, %get3A_19] : memref<128x128xf32, #tpu.memory_space<vmem>>, vector<128x128xf32>
    %dot_general3A = arith.constant dense<0.000000e+00> : vector<6250x128xf32>
    %dot_general3A_21 = tpu.matmul %add3A_17, %get3A_20, %dot_general3A {dimension_numbers = #tpu.dot_dimension_numbers<[1], [0], [0], [1], [0, 0, 1, 1], [], []>, transpose_lhs_hint = false} : vector<6250x128xf32>, vector<128x128xf32>, vector<6250x128xf32> -> vector<6250x128xf32>
    %get3A_22 = arith.constant 0 : index
    %get3A_23 = arith.constant 0 : index
    %get3A_24 = vector.load %arg4[%get3A_22, %get3A_23] : memref<1x128xf32, #tpu.memory_space<vmem>>, vector<1x128xf32>
    %add3A_25 = vector.broadcast %get3A_24 : vector<1x128xf32> to vector<6250x128xf32>
    %add3A_26 = arith.addf %dot_general3A_21, %add3A_25 : vector<6250x128xf32>
    %iota3A = tpu.iota {dimensions = array<i32: 1>} : vector<6250x128xi32>
    %jit3A = arith.constant 8 : i32
    %eq3A = arith.constant 0 : i32
    %eq3A_27 = arith.cmpi eq, %jit3A, %eq3A : i32
    %jit3A_28 = arith.constant 1 : i32
    %select_n3A = arith.select %eq3A_27, %jit3A_28, %jit3A : i32
    %rem3A = vector.broadcast %select_n3A : i32 to vector<6250x128xi32>
    %rem3A_29 = arith.remsi %iota3A, %rem3A : vector<6250x128xi32>
    %ne3A = arith.constant 0 : i32
    %ne3A_30 = vector.broadcast %ne3A : i32 to vector<6250x128xi32>
    %ne3A_31 = arith.cmpi ne, %rem3A_29, %ne3A_30 : vector<6250x128xi32>
    %lt3A = arith.constant 0 : i32
    %lt3A_32 = vector.broadcast %lt3A : i32 to vector<6250x128xi32>
    %lt3A_33 = arith.cmpi slt, %rem3A_29, %lt3A_32 : vector<6250x128xi32>
    %lt3A_34 = arith.constant 0 : i32
    %lt3A_35 = arith.cmpi slt, %select_n3A, %lt3A_34 : i32
    %ne3A_36 = vector.broadcast %lt3A_35 : i1 to vector<6250x128xi1>
    %ne3A_37 = vector.broadcast %ne3A_36 : vector<6250x128xi1> to vector<6250x128xi1>
    %ne3A_38 = arith.xori %lt3A_33, %ne3A_37 : vector<6250x128xi1>
    %and3A = arith.andi %ne3A_38, %ne3A_31 : vector<6250x128xi1>
    %add3A_39 = vector.broadcast %select_n3A : i32 to vector<6250x128xi32>
    %add3A_40 = arith.addi %rem3A_29, %add3A_39 : vector<6250x128xi32>
    %select_n3A_41 = arith.select %and3A, %add3A_40, %rem3A_29 : vector<6250x128xi1>, vector<6250x128xi32>
    %lt3A_42 = arith.constant 4 : i32
    %lt3A_43 = vector.broadcast %lt3A_42 : i32 to vector<6250x128xi32>
    %lt3A_44 = arith.cmpi slt, %select_n3A_41, %lt3A_43 : vector<6250x128xi32>
    %jit3A_45 = arith.constant -3.000000e+38 : f32
    %broadcast_in_dim3A = vector.broadcast %jit3A_45 : f32 to vector<6250x128xf32>
    %select_n3A_46 = arith.select %lt3A_44, %add3A_26, %broadcast_in_dim3A : vector<6250x128xi1>, vector<6250x128xf32>
    %roll3A = arith.constant 127 : i32
    %roll3A_47 = tpu.dynamic_rotate %select_n3A_46 by %roll3A dim 1 : vector<6250x128xf32>, i32 -> vector<6250x128xf32>
    %max3A = arith.maximumf %select_n3A_46, %roll3A_47 : vector<6250x128xf32>
    %roll3A_48 = arith.constant 126 : i32
    %roll3A_49 = tpu.dynamic_rotate %max3A by %roll3A_48 dim 1 : vector<6250x128xf32>, i32 -> vector<6250x128xf32>
    %max3A_50 = arith.maximumf %max3A, %roll3A_49 : vector<6250x128xf32>
    %iota3A_51 = tpu.iota {dimensions = array<i32: 0>} : vector<128x128xi32>
    %iota3A_52 = tpu.iota {dimensions = array<i32: 1>} : vector<128x128xi32>
    %jit3A_53 = arith.constant 8 : i32
    %div3A = vector.broadcast %jit3A_53 : i32 to vector<128x128xi32>
    %div3A_54 = arith.divsi %iota3A_51, %div3A : vector<128x128xi32>
    %sign3A = arith.constant 0 : i32
    %sign3A_55 = vector.broadcast %sign3A : i32 to vector<128x128xi32>
    %sign3A_56 = arith.cmpi sgt, %iota3A_51, %sign3A_55 : vector<128x128xi32>
    %sign3A_57 = arith.extui %sign3A_56 : vector<128x128xi1> to vector<128x128xi32>
    %sign3A_58 = arith.constant 0 : i32
    %sign3A_59 = vector.broadcast %sign3A_58 : i32 to vector<128x128xi32>
    %sign3A_60 = arith.cmpi slt, %iota3A_51, %sign3A_59 : vector<128x128xi32>
    %sign3A_61 = arith.extui %sign3A_60 : vector<128x128xi1> to vector<128x128xi32>
    %sign3A_62 = arith.subi %sign3A_57, %sign3A_61 : vector<128x128xi32>
    %sign3A_63 = arith.constant 0 : i32
    %sign3A_64 = arith.cmpi sgt, %jit3A_53, %sign3A_63 : i32
    %sign3A_65 = arith.extui %sign3A_64 : i1 to i32
    %sign3A_66 = arith.constant 0 : i32
    %sign3A_67 = arith.cmpi slt, %jit3A_53, %sign3A_66 : i32
    %sign3A_68 = arith.extui %sign3A_67 : i1 to i32
    %sign3A_69 = arith.subi %sign3A_65, %sign3A_68 : i32
    %ne3A_70 = vector.broadcast %sign3A_69 : i32 to vector<128x128xi32>
    %ne3A_71 = arith.cmpi ne, %sign3A_62, %ne3A_70 : vector<128x128xi32>
    %rem3A_72 = vector.broadcast %jit3A_53 : i32 to vector<128x128xi32>
    %rem3A_73 = arith.remsi %iota3A_51, %rem3A_72 : vector<128x128xi32>
    %ne3A_74 = arith.constant 0 : i32
    %ne3A_75 = vector.broadcast %ne3A_74 : i32 to vector<128x128xi32>
    %ne3A_76 = arith.cmpi ne, %rem3A_73, %ne3A_75 : vector<128x128xi32>
    %and3A_77 = arith.andi %ne3A_71, %ne3A_76 : vector<128x128xi1>
    %sub3A = arith.constant 1 : i32
    %sub3A_78 = vector.broadcast %sub3A : i32 to vector<128x128xi32>
    %sub3A_79 = arith.subi %div3A_54, %sub3A_78 : vector<128x128xi32>
    %select_n3A_80 = arith.select %and3A_77, %sub3A_79, %div3A_54 : vector<128x128xi1>, vector<128x128xi32>
    %jit3A_81 = arith.constant 8 : i32
    %div3A_82 = vector.broadcast %jit3A_81 : i32 to vector<128x128xi32>
    %div3A_83 = arith.divsi %iota3A_52, %div3A_82 : vector<128x128xi32>
    %sign3A_84 = arith.constant 0 : i32
    %sign3A_85 = vector.broadcast %sign3A_84 : i32 to vector<128x128xi32>
    %sign3A_86 = arith.cmpi sgt, %iota3A_52, %sign3A_85 : vector<128x128xi32>
    %sign3A_87 = arith.extui %sign3A_86 : vector<128x128xi1> to vector<128x128xi32>
    %sign3A_88 = arith.constant 0 : i32
    %sign3A_89 = vector.broadcast %sign3A_88 : i32 to vector<128x128xi32>
    %sign3A_90 = arith.cmpi slt, %iota3A_52, %sign3A_89 : vector<128x128xi32>
    %sign3A_91 = arith.extui %sign3A_90 : vector<128x128xi1> to vector<128x128xi32>
    %sign3A_92 = arith.subi %sign3A_87, %sign3A_91 : vector<128x128xi32>
    %sign3A_93 = arith.constant 0 : i32
    %sign3A_94 = arith.cmpi sgt, %jit3A_81, %sign3A_93 : i32
    %sign3A_95 = arith.extui %sign3A_94 : i1 to i32
    %sign3A_96 = arith.constant 0 : i32
    %sign3A_97 = arith.cmpi slt, %jit3A_81, %sign3A_96 : i32
    %sign3A_98 = arith.extui %sign3A_97 : i1 to i32
    %sign3A_99 = arith.subi %sign3A_95, %sign3A_98 : i32
    %ne3A_100 = vector.broadcast %sign3A_99 : i32 to vector<128x128xi32>
    %ne3A_101 = arith.cmpi ne, %sign3A_92, %ne3A_100 : vector<128x128xi32>
    %rem3A_102 = vector.broadcast %jit3A_81 : i32 to vector<128x128xi32>
    %rem3A_103 = arith.remsi %iota3A_52, %rem3A_102 : vector<128x128xi32>
    %ne3A_104 = arith.constant 0 : i32
    %ne3A_105 = vector.broadcast %ne3A_104 : i32 to vector<128x128xi32>
    %ne3A_106 = arith.cmpi ne, %rem3A_103, %ne3A_105 : vector<128x128xi32>
    %and3A_107 = arith.andi %ne3A_101, %ne3A_106 : vector<128x128xi1>
    %sub3A_108 = arith.constant 1 : i32
    %sub3A_109 = vector.broadcast %sub3A_108 : i32 to vector<128x128xi32>
    %sub3A_110 = arith.subi %div3A_83, %sub3A_109 : vector<128x128xi32>
    %select_n3A_111 = arith.select %and3A_107, %sub3A_110, %div3A_83 : vector<128x128xi1>, vector<128x128xi32>
    %eq3A_112 = arith.cmpi eq, %select_n3A_80, %select_n3A_111 : vector<128x128xi32>
    %jit3A_113 = arith.constant 8 : i32
    %eq3A_114 = arith.constant 0 : i32
    %eq3A_115 = arith.cmpi eq, %jit3A_113, %eq3A_114 : i32
    %jit3A_116 = arith.constant 1 : i32
    %select_n3A_117 = arith.select %eq3A_115, %jit3A_116, %jit3A_113 : i32
    %rem3A_118 = vector.broadcast %select_n3A_117 : i32 to vector<128x128xi32>
    %rem3A_119 = arith.remsi %iota3A_51, %rem3A_118 : vector<128x128xi32>
    %ne3A_120 = arith.constant 0 : i32
    %ne3A_121 = vector.broadcast %ne3A_120 : i32 to vector<128x128xi32>
    %ne3A_122 = arith.cmpi ne, %rem3A_119, %ne3A_121 : vector<128x128xi32>
    %lt3A_123 = arith.constant 0 : i32
    %lt3A_124 = vector.broadcast %lt3A_123 : i32 to vector<128x128xi32>
    %lt3A_125 = arith.cmpi slt, %rem3A_119, %lt3A_124 : vector<128x128xi32>
    %lt3A_126 = arith.constant 0 : i32
    %lt3A_127 = arith.cmpi slt, %select_n3A_117, %lt3A_126 : i32
    %ne3A_128 = vector.broadcast %lt3A_127 : i1 to vector<128x128xi1>
    %ne3A_129 = vector.broadcast %ne3A_128 : vector<128x128xi1> to vector<128x128xi1>
    %ne3A_130 = arith.xori %lt3A_125, %ne3A_129 : vector<128x128xi1>
    %and3A_131 = arith.andi %ne3A_130, %ne3A_122 : vector<128x128xi1>
    %add3A_132 = vector.broadcast %select_n3A_117 : i32 to vector<128x128xi32>
    %add3A_133 = arith.addi %rem3A_119, %add3A_132 : vector<128x128xi32>
    %select_n3A_134 = arith.select %and3A_131, %add3A_133, %rem3A_119 : vector<128x128xi1>, vector<128x128xi32>
    %eq3A_135 = arith.constant 0 : i32
    %eq3A_136 = vector.broadcast %eq3A_135 : i32 to vector<128x128xi32>
    %eq3A_137 = arith.cmpi eq, %select_n3A_134, %eq3A_136 : vector<128x128xi32>
    %and3A_138 = arith.andi %eq3A_112, %eq3A_137 : vector<128x128xi1>
    %jit3A_139 = arith.constant 1.000000e+00 : f32
    %jit3A_140 = arith.constant 0.000000e+00 : f32
    %broadcast_in_dim3A_141 = vector.broadcast %jit3A_139 : f32 to vector<128x128xf32>
    %broadcast_in_dim3A_142 = vector.broadcast %jit3A_140 : f32 to vector<128x128xf32>
    %select_n3A_143 = arith.select %and3A_138, %broadcast_in_dim3A_141, %broadcast_in_dim3A_142 : vector<128x128xi1>, vector<128x128xf32>
    %jit3A_144 = arith.constant 8 : i32
    %eq3A_145 = arith.constant 0 : i32
    %eq3A_146 = arith.cmpi eq, %jit3A_144, %eq3A_145 : i32
    %jit3A_147 = arith.constant 1 : i32
    %select_n3A_148 = arith.select %eq3A_146, %jit3A_147, %jit3A_144 : i32
    %rem3A_149 = vector.broadcast %select_n3A_148 : i32 to vector<6250x128xi32>
    %rem3A_150 = arith.remsi %iota3A, %rem3A_149 : vector<6250x128xi32>
    %ne3A_151 = arith.constant 0 : i32
    %ne3A_152 = vector.broadcast %ne3A_151 : i32 to vector<6250x128xi32>
    %ne3A_153 = arith.cmpi ne, %rem3A_150, %ne3A_152 : vector<6250x128xi32>
    %lt3A_154 = arith.constant 0 : i32
    %lt3A_155 = vector.broadcast %lt3A_154 : i32 to vector<6250x128xi32>
    %lt3A_156 = arith.cmpi slt, %rem3A_150, %lt3A_155 : vector<6250x128xi32>
    %lt3A_157 = arith.constant 0 : i32
    %lt3A_158 = arith.cmpi slt, %select_n3A_148, %lt3A_157 : i32
    %ne3A_159 = vector.broadcast %lt3A_158 : i1 to vector<6250x128xi1>
    %ne3A_160 = vector.broadcast %ne3A_159 : vector<6250x128xi1> to vector<6250x128xi1>
    %ne3A_161 = arith.xori %lt3A_156, %ne3A_160 : vector<6250x128xi1>
    %and3A_162 = arith.andi %ne3A_161, %ne3A_153 : vector<6250x128xi1>
    %add3A_163 = vector.broadcast %select_n3A_148 : i32 to vector<6250x128xi32>
    %add3A_164 = arith.addi %rem3A_150, %add3A_163 : vector<6250x128xi32>
    %select_n3A_165 = arith.select %and3A_162, %add3A_164, %rem3A_150 : vector<6250x128xi1>, vector<6250x128xi32>
    %eq3A_166 = arith.constant 0 : i32
    %eq3A_167 = vector.broadcast %eq3A_166 : i32 to vector<6250x128xi32>
    %eq3A_168 = arith.cmpi eq, %select_n3A_165, %eq3A_167 : vector<6250x128xi32>
    %jit3A_169 = arith.constant 0.000000e+00 : f32
    %broadcast_in_dim3A_170 = vector.broadcast %jit3A_169 : f32 to vector<6250x128xf32>
    %select_n3A_171 = arith.select %eq3A_168, %max3A_50, %broadcast_in_dim3A_170 : vector<6250x128xi1>, vector<6250x128xf32>
    %dot_general3A_172 = arith.constant dense<0.000000e+00> : vector<6250x128xf32>
    %dot_general3A_173 = tpu.matmul %select_n3A_171, %select_n3A_143, %dot_general3A_172 {dimension_numbers = #tpu.dot_dimension_numbers<[1], [0], [0], [1], [0, 0, 1, 1], [], []>, transpose_lhs_hint = false} : vector<6250x128xf32>, vector<128x128xf32>, vector<6250x128xf32> -> vector<6250x128xf32>
    %sub3A_174 = arith.subf %add3A_26, %dot_general3A_173 : vector<6250x128xf32>
    %exp3A = math.exp %sub3A_174 : vector<6250x128xf32>
    %jit3A_175 = arith.constant 0.000000e+00 : f32
    %broadcast_in_dim3A_176 = vector.broadcast %jit3A_175 : f32 to vector<6250x128xf32>
    %select_n3A_177 = arith.select %lt3A_44, %exp3A, %broadcast_in_dim3A_176 : vector<6250x128xi1>, vector<6250x128xf32>
    %jit3A_178 = arith.constant 1.000000e+00 : f32
    %jit3A_179 = arith.constant 0.000000e+00 : f32
    %broadcast_in_dim3A_180 = vector.broadcast %jit3A_178 : f32 to vector<128x128xf32>
    %broadcast_in_dim3A_181 = vector.broadcast %jit3A_179 : f32 to vector<128x128xf32>
    %select_n3A_182 = arith.select %eq3A_112, %broadcast_in_dim3A_180, %broadcast_in_dim3A_181 : vector<128x128xi1>, vector<128x128xf32>
    %dot_general3A_183 = arith.constant dense<0.000000e+00> : vector<6250x128xf32>
    %dot_general3A_184 = tpu.matmul %select_n3A_177, %select_n3A_182, %dot_general3A_183 {dimension_numbers = #tpu.dot_dimension_numbers<[1], [0], [0], [1], [0, 0, 1, 1], [], []>, transpose_lhs_hint = false} : vector<6250x128xf32>, vector<128x128xf32>, vector<6250x128xf32> -> vector<6250x128xf32>
    %sub3A_185 = arith.subf %add3A_26, %dot_general3A_173 : vector<6250x128xf32>
    %log3A = math.log %dot_general3A_184 : vector<6250x128xf32>
    %sub3A_186 = arith.subf %sub3A_185, %log3A : vector<6250x128xf32>
    %swap3A = arith.constant 0 : index
    %swap3A_187 = arith.constant 0 : index
    %swap3A_188 = vector.load %arg5[%swap3A, %swap3A_187] : memref<6250x128xf32, #tpu.memory_space<vmem>>, vector<6250x128xf32>
    tpu.vector_store %arg5[%swap3A, %swap3A_187], %sub3A_186 {strides = array<i32>} : memref<6250x128xf32, #tpu.memory_space<vmem>>, vector<6250x128xf32>,
    return
  }
}

</mosaic_0001>

<sc_bundles>
// kernel: kernel.11.cloned.1.call-start
scs
__scs_entry_jumppad:
0x0: {  	(pc) =	sbr.rel $0x88, $3  }
0x1: {  	(tag) =	ssettag $0x0;
	lr =	simm.s32 $0x1  }
0x2: {  	[smem:$0x3F9B] =	sst lr;
	_ =	strace $0xD0000000  }
0x3: {  	_ = 	snop  }
0x4: {  	_ = 	snop  }
0x5: {  	_ = 	snop  }
0x6: {  	_ = 	snop  }
0x7: {  	_ = 	snop  }
__scs_overlays_trampoline_lowered:
0x8: {  	[smem:$0x3FAA] =	sst s0  }
0x9: {  	[smem:$0x3FAB] =	sst s1  }
0xa: {  	[smem:$0x3FAC] =	sst s2  }
0xb: {  	[smem:$0x3FAD] =	sst s3  }
0xc: {  	[smem:$0x3FAE] =	sst s4  }
0xd: {  	[smem:$0x3FAF] =	sst s5  }
0xe: {  	[smem:$0x3FB0] =	sst s6  }
0xf: {  	[smem:$0x3FB1] =	sst s7  }
0x10: {  	[smem:$0x3FB2] =	sst s8  }
0x11: {  	[smem:$0x3FB3] =	sst s9;
	s0 =	simm.s32 @!p0 $0x0  }
0x12: {  	s1 =	sld [smem:$0x3F99];
	s0 =	simm.s32 @p0 $0x1  }
0x13: {  	[smem:$0x3FB4] =	sst s0;
	s0 =	simm.s32 @!p1 $0x0  }
0x14: {  	s2 =	sld [smem:$0x3F98];
	s0 =	simm.s32 @p1 $0x1  }
0x15: {  	[smem:$0x3FB5] =	sst s0;
	s0 =	simm.s32 @!p2 $0x0  }
0x16: {  	s3 =	sld [smem:$0x3FDB];
	s0 =	simm.s32 @p2 $0x1  }
0x17: {  	s4 =	simm.s32 $0x1BF5;
	[smem:$0x3FB7] =	sst s0  }
0x18: {  	s0 =	sld [smem:$0x3F9A];
	_ =	swait.ge [sflag:s4], $0x0  }
0x19: {  	s7 =	sld [smem:$0x3F9B]  }
0x1a: {  	s8 =	sadd.s32 $0xFFFFE003, lr  }
0x1b: {  	s9 =	sadd.s32 $0xFFFFFEF7, lr;
	s5 =	simm.s32 $0xFFFFFFFF;
	p2 =	slt.u32 s8, $0xFFFFF086  }
0x1c: {  	p1 =	slt.u32 s9, $0xF7A;
	s5 =	simm.s32 @!p2 $0x0  }
0x1d: {  	s5 =	simm.s32 @p1 $0x1;
	p0 =	seq.s32 s7, s2  }
0x1e: {  	s7 =	smul.u32 @!p0 $0xF7A, s2;
	p2 =	seq.s32 @!p0 s5, $0x0  }
0x1f: {  	s9 =	smul.u32 $0xF7A, s1;
	s8 =	simm.s32 @!p0 $0x1BF5;
	p2 =	por !p2, p0  }
0x20: {  	[sflag:s8] =	ssyncset.s32 @!p0 $0xFFFFF086;
	s6 =	sadd.s32 @!p0 s3, s7;
	s7 =	simm.s32 @!p0 $0x108  }
0x21: {  	s3 =	sadd.s32 s3, s9;
	s6 =	sadd.s32 @!p0 $0x88, s6;
	s7 =	simm.s32 @p2 $0x1082  }
0x22: {  	[simem:s7], [sflag:s8] =	dma.local @!p0 [hbm:s6], $0xF7A  }
0x23: {  	s9 =	sor.u32 $0xD0000000, s2;
	s6 =	simm.s32 $0x108;
	_ =	swait.ge @!p0 [sflag:s8], $0x0  }
0x24: {  	s3 =	sadd.s32 $0x88, s3;
	s6 =	simm.s32 @!p1 $0x1082;
	[sflag:s4] =	ssyncset.s32 $0xFFFFF086  }
0x25: {  	[simem:s6], [sflag:s4] =	dma.local [hbm:s3], $0xF7A  }
0x26: {  	[smem:$0x3F9B] =	sst s1;
	(tag) =	ssettag s2;
	_ =	strace s9  }
0x27: {  	s1 =	sld [smem:$0x3FAB]  }
0x28: {  	s2 =	sld [smem:$0x3FAC]  }
0x29: {  	s4 =	sld [smem:$0x3FAE]  }
0x2a: {  	p0 =	seq.s32 s5, $0x0;
	s5 =	sld [smem:$0x3FAF]  }
0x2b: {  	s6 =	sld [smem:$0x3FB0]  }
0x2c: {  	s7 =	sld [smem:$0x3FB1]  }
0x2d: {  	s3 =	simm.s32 $0x108;
	s8 =	sld [smem:$0x3FB2]  }
0x2e: {  	s3 =	simm.s32 @!p0 $0x1082;
	s9 =	sld [smem:$0x3FB3]  }
0x2f: {  	lr =	sadd.s32 s0, s3;
	s0 =	sld [smem:$0x3FAA]  }
0x30: {  	s3 =	sld [smem:$0x3FAD]  }
0x31: {  	[smem:$0x3FB6] =	sst s10  }
0x32: {  	s10 =	sld [smem:$0x3FB4];
	_ =	sdelay $0x3  }
0x33: {  	p0 =	seq.s32 s10, $0x1;
	s10 =	sld [smem:$0x3FB6];
	_ =	sdelay $0x3  }
0x34: {  	[smem:$0x3FB6] =	sst s10  }
0x35: {  	s10 =	sld [smem:$0x3FB5];
	_ =	sdelay $0x3  }
0x36: {  	p1 =	seq.s32 s10, $0x1;
	s10 =	sld [smem:$0x3FB6];
	_ =	sdelay $0x3  }
0x37: {  	[smem:$0x3FB6] =	sst s10  }
0x38: {  	s10 =	sld [smem:$0x3FB7]  }
0x39: {  	_ = 	snop;
	(pc) =	sbr.ind lr, $3  }
0x3a: {  	_ = 	snop  }
0x3b: {  	_ = 	snop  }
0x3c: {  	p2 =	seq.s32 s10, $0x1;
	s10 =	sld [smem:$0x3FB6]  }
0x3d: {  	_ =	shalt  }
0x3e: {  	_ =	shalt  }
0x3f: {  	_ =	shalt  }
0x40: {  	_ =	shalt  }
0x41: {  	_ =	shalt  }
0x42: {  	_ =	shalt  }
0x43: {  	_ =	shalt  }
0x44: {  	_ =	shalt  }
0x45: {  	_ =	shalt  }
0x46: {  	_ =	shalt  }
0x47: {  	_ =	shalt  }
0x48: {  	_ =	shalt  }
0x49: {  	_ =	shalt  }
0x4a: {  	_ =	shalt  }
0x4b: {  	_ =	shalt  }
0x4c: {  	_ =	shalt  }
0x4d: {  	_ =	shalt  }
0x4e: {  	_ =	shalt  }
0x4f: {  	_ =	shalt  }
0x50: {  	_ =	shalt  }
0x51: {  	_ =	shalt  }
0x52: {  	_ =	shalt  }
0x53: {  	_ =	shalt  }
0x54: {  	_ =	shalt  }
0x55: {  	_ =	shalt  }
0x56: {  	_ =	shalt  }
0x57: {  	_ =	shalt  }
0x58: {  	_ =	shalt  }
0x59: {  	_ =	shalt  }
0x5a: {  	_ =	shalt  }
0x5b: {  	_ =	shalt  }
0x5c: {  	_ =	shalt  }
0x5d: {  	_ =	shalt  }
0x5e: {  	_ =	shalt  }
0x5f: {  	_ =	shalt  }
0x60: {  	_ =	shalt  }
0x61: {  	_ =	shalt  }
0x62: {  	_ =	shalt  }
0x63: {  	_ =	shalt  }
0x64: {  	_ =	shalt  }
0x65: {  	_ =	shalt  }
0x66: {  	_ =	shalt  }
0x67: {  	_ =	shalt  }
0x68: {  	_ =	shalt  }
0x69: {  	_ =	shalt  }
0x6a: {  	_ =	shalt  }
0x6b: {  	_ =	shalt  }
0x6c: {  	_ =	shalt  }
0x6d: {  	_ =	shalt  }
0x6e: {  	_ =	shalt  }
0x6f: {  	_ =	shalt  }
0x70: {  	_ =	shalt  }
0x71: {  	_ =	shalt  }
0x72: {  	_ =	shalt  }
0x73: {  	_ =	shalt  }
0x74: {  	_ =	shalt  }
0x75: {  	_ =	shalt  }
0x76: {  	_ =	shalt  }
0x77: {  	_ =	shalt  }
0x78: {  	_ =	shalt  }
0x79: {  	_ =	shalt  }
0x7a: {  	_ =	shalt  }
0x7b: {  	_ =	shalt  }
0x7c: {  	_ =	shalt  }
0x7d: {  	_ =	shalt  }
0x7e: {  	_ =	shalt  }
0x7f: {  	_ =	shalt  }
0x80: {  	_ =	shalt  }
0x81: {  	_ =	shalt  }
0x82: {  	_ =	shalt  }
0x83: {  	_ =	shalt  }
0x84: {  	_ =	shalt  }
0x85: {  	_ =	shalt  }
0x86: {  	_ =	shalt  }
0x87: {  	_ =	shalt  }
.Lfunc_end0:
.L_simem_size_0:
called_computation.2_lowered:
.L_overlay_start_0:
0x88: {  	s2 =	sld [smem:$0x3FD9]  }
0x89: {  	s3 =	sld [smem:$0x3FFE];
	_ =	sdelay $0x1  }
0x8a: {  	s1 =	srdreg.scid  }
0x8b: {  	s0 =	sand.u32 $0x1, s1  }
0x8c: {  	s16 =	sshll.u32 s0, $0xA;
	s2 =	sadd.s32 s3, s2  }
0x8d: {  	s2 =	sadd.s32 s2, s16  }
0x8e: {  	[smem:$0x3FC2] =	sst s2  }
0x8f: {  	_ = 	snop  }
0x90: {  	(tm) =	ssettm $0x1  }
0x91: {  	s17 =	sld [smem:$0x3FFB];
	_ =	sdelay $0x3  }
0x92: {  	_ =	strace s17  }
0x93: {  	s2 =	sld [smem:$0x3FFC];
	_ =	sdelay $0x3  }
0x94: {  	_ =	strace s2  }
0x95: {  	s2 =	sld [smem:$0x3FFD];
	_ =	sdelay $0x3  }
0x96: {  	_ =	strace s2  }
0x97: {  	_ =	strace $0x8FFFFFFF  }
0x98: {  	s18 =	sld [smem:$0x3FDB];
	_ =	sdelay $0x1  }
0x99: {  	s19 =	simm.s32 $_scs_section_size  }
0x9a: {  	s4 =	simm.s32 $_size__tile_overlayer_lowered;
	s5 =	simm.s32 $_tile_overlayer_lowered  }
0x9b: {  	s22 =	simm.s32 $0x1BFF;
	s21 =	sshll.u32 s5, $0x1;
	s2 =	sadd.s32 s19, s18  }
0x9c: {  	s6 =	simm.s32 $0x0;
	s20 =	sshll.u32 s4, $0x1;
	s4 =	sadd.s32 s21, s2  }
0x9d: {  	[timem:s6], [sflag:s22] =	dma.local [hbm:s4], s20  }
0x9e: {  	_ =	swait.ge [sflag:s22], s20  }
0x9f: {  	s3 =	ssub.s32 $0x0, s20;
	[sflag:s22] =	ssyncset.done $0x0  }
0xa0: {  	[sflag:s22] =	ssyncadd.s32 s3;
	_ =	sdelay $0x1  }
0xa1: {  	s23 =	simm.s32 $0x1B8B  }
0xa2: {  	_ =	swait.ge [sflag:s23], $0x1  }
0xa3: {  	[sflag:s23] =	ssyncset.done $0x0  }
0xa4: {  	s25 =	simm.s32 $0x1B8E;
	s24 =	sld [smem:$0x3FFE];
	[sflag:s23] =	ssyncadd.s32 $0xFFFFFFFF  }
0xa5: {  	s26 =	simm.s32 $execute0_lowered;
	[smem:$0x3FD2] =	sst s25  }
0xa6: {  	s4 =	sshll.u32 s26, $0x1;
	_ =	strace $0x8000004C;
	[dreg:$0x1] =	wrdreg $0xFFFFFFFF  }
0xa7: {  	s28 =	simm.s32 $_size_execute0_lowered;
	s2 =	sadd.s32 s2, s4;
	[dreg:$0x0] =	wrdreg $0x0  }
0xa8: {  	s4 =	sshll.u32 s28, $0x1;
	[dreg:$0x2] =	wrdreg s2  }
0xa9: {  	[dreg:$0x3] =	wrdreg s4  }
0xaa: {  	[dreg:$0x4] =	wrdreg $0xC0  }
0xab: {  	_ =	task [dreg:s6], $0x5FFFF  }
0xac: {  	[dreg:$0x1] =	wrdreg $0xFFFFFFFF  }
0xad: {  	[dreg:$0x0] =	wrdreg $0x60  }
0xae: {  	[dreg:$0x2] =	wrdreg s24  }
0xaf: {  	[dreg:$0x3] =	wrdreg $0x138800  }
0xb0: {  	[dreg:$0x4] =	wrdreg $0x9  }
0xb1: {  	_ =	task.clear_ibuf [dreg:s6], $0x5FFFF;
	_ =	strace $0x9000004C  }
0xb2: {  	s29 =	simm.s32 $0x9;
	_ =	strace $0x8000004E  }
0xb3: {  	_ =	swait.ge [sflag:s29], $0x1  }
0xb4: {  	[sflag:s29] =	ssyncadd.s32 $0xFFFFFFFF  }
0xb5: {  	_ =	strace $0x9000004E  }
0xb6: {  	_ =	sfence  }
0xb7: {  	s30 =	sld [smem:$0x0];
	_ =	sdelay $0x2  }
0xb8: {  	s31 =	sshll.u32 s1, $0xD;
	s1 =	sshrl.u32 s1, $0x2  }
0xb9: {  	s3 =	sand.u32 $0x4000, s31;
	s1 =	sadd.s32 s1, s30  }
0xba: {  	s0 =	sor.u32 s3, s0;
	s1 =	sshll.u32 s1, $0x11  }
0xbb: {  	s0 =	sor.u32 s1, s0  }
0xbc: {  	s0 =	sadd.s32 $0x8F2B, s0  }
0xbd: {  	[sflag:s0] =	ssyncadd.remote.s32 $0x1  }
0xbe: {  	_ =	sfence.sel $0xFFFF  }
0xbf: {  	[dreg:$0x0] =	wrdreg $0xFFFFFFFF;
	(pc) =	sbr.abs _section_cstart, $3  }
0xc0: {  	[dreg:$0x1] =	wrdreg $0xFFFFFFFF  }
0xc1: {  	_ =	task.clear_ibuf [dreg:s6], $0x2FFFF;
	_ =	strace $0x9FFFFFFF  }
0xc2: {  	(tm) =	ssettm $0x7FFFFFFF  }
0xc3: {  	_ =	shalt  }
tec
execute0_lowered:
.L_overlay_start_1:
0x0: {  	(tag) =	ssettag $0x1  }
0x1: {  	s0 =	rddreg [dreg:$0x0]  }
0x2: {  	s1 =	rddreg [dreg:$0x1]  }
0x3: {  	s3 =	srdreg.scid;
	s2 =	simm.s32 $0x0;
	s17 =	stileid.u32  }
0x4: {  	s20 =	simm.s32 $0x1F40;
	s28 =	simm.s32 $0xBB80;
	s29 =	simm.s32 $0x5  }
0x5: {  	s30 =	simm.s32 $0x4;
	s31 =	simm.s32 $0x6;
	s4 =	sand.u32 $0x1, s3  }
0x6: {  	[smem:$0x7FF] =	sst s2;
	s18 =	sadd.s32 $0x2400, s0;
	s7 =	sadd.s32 $0x188E00, s0  }
0x7: {  	s9 =	smul.u32 $0x30D40, s17;
	p0 =	sne.s32 s17, $0x0;
	s3 =	sshll.u32 s4, $0x4  }
0x8: {  	_ =	strace $0x8000004D;
	s5 =	smul.u32 $0x186A0, s4;
	[dreg:$0x3] =	wrdreg s7  }
0x9: {  	s21 =	ssub.s32 $0x2, s4;
	s4 =	smul.u32 $0x30D400, s4;
	s19 =	sshrl.u32 @!p0 s1, $0x3  }
0xa: {  	s6 =	sor.u32 s17, s3;
	s3 =	sadd.s32 $0x1A1600, s0;
	s8 =	sshrl.u32 s21, $0x1  }
0xb: {  	s6 =	smul.u32 $0x30D40, s6;
	s0 =	sadd.s32 s5, s0;
	s8 =	ssub.s32 s21, s8  }
0xc: {  	s22 =	sadd.s32 s9, s4;
	s21 =	simm.s32 $0x1;
	s0 =	sadd.s32 $0x1B9E00, s0  }
0xd: {  	s8 =	smax.u32 s8, $0x1;
	s4 =	sadd.s32 $0x61F620, s22;
	s14 =	sadd.s32 $0x4E20, s22  }
0xe: {  	s24 =	sadd.s32 $0x3E80, s22;
	s16 =	sadd.s32 $0x61E680, s22;
	s26 =	sadd.s32 $0x2EE0, s22  }
0xf: {  	s6 =	sshrl.u32 s6, $0x3;
	[dreg:$0x5] =	wrdreg s0;
	s4 =	sshrl.u32 s4, $0x3  }
0x10: {  	s23 =	sshrl.u32 s14, $0x3;
	s15 =	sshrl.u32 s24, $0x3;
	s25 =	sshrl.u32 s16, $0x3  }
0x11: {  	s0 =	sadd.s32 $0x61D6E0, s22;
	s22 =	simm.s32 $0xFA0;
	s24 =	simm.s32 $0x2EE0  }
0x12: {  	s5 =	sadd.s32 s18, s6;
	s4 =	sadd.s32 s4, s18;
	s15 =	sadd.s32 s15, s18  }
0x13: {  	s16 =	sadd.s32 s25, s18;
	s0 =	sshrl.u32 s0, $0x3;
	s25 =	simm.s32 $0x3  }
0x14: {  	s6 =	sadd.s32 $0xC3500, s5;
	s9 =	sadd.s32 $0x1F4, s5;
	s10 =	sadd.s32 $0xC36F4, s5  }
0x15: {  	s11 =	sadd.s32 $0x3E8, s5;
	s12 =	sadd.s32 $0xC38E8, s5;
	s13 =	sadd.s32 $0xFFFFFC18, s4  }
0x16: {  	s4 =	sadd.s32 s23, s18;
	s23 =	simm.s32 $0x3E80;
	[dreg:$0x4] =	wrdreg s6  }
0x17: {  	s14 =	sadd.s32 $0xFFFFFC18, s4;
	s4 =	sshrl.u32 s26, $0x3;
	s26 =	simm.s32 $0x2  }
0x18: {  	s17 =	sadd.s32 s4, s18;
	s18 =	sadd.s32 s0, s18;
	s0 =	simm.s32 $0x0  }
.LBB2_1:
0x19: {  	s4 =	simm.s32 @!p0 $0x1C07;
	s6 =	rddreg [dreg:$0x3]  }
0x1a: {  	[spmem:s19], [sflag:s4] =	dma.local @!p0 [hbm:s6], $0x186A0  }
0x1b: {  	s4 =	simm.s32 @!p0 $0x7  }
0x1c: {  	_ =	swait.ge @!p0 [sflag:s4], $0x186A0  }
0x1d: {  	[sflag:s4] =	ssyncset.done @!p0 $0x0  }
0x1e: {  	[sflag:s4] =	ssyncadd.s32 @!p0 $0xFFFE7960  }
0x1f: {  	[bflag:$0x0] =	sbarrier.arrive $0xFFFF  }
0x20: {  	[tilespmem:s2], [sflag:$0x1] =	stream.linear.gather [hbm4b:s5+s2], $0xFA0, $0x38;
	[tilespmem:$0x1FBD0] =	vst v63  }
0x21: {  	s7 =	rddreg [dreg:$0x4]  }
0x22: {  	[tilespmem:s20], [sflag:$0x1] =	stream.linear.gather [hbm4b:s7+s2], $0xFA0, $0x38;
	[tilespmem:$0x1FBD0] =	vst v63  }
0x23: {  	_ =	swait.ge [sflag:s21], $0xFA0  }
0x24: {  	[sflag:s21] =	ssyncset.done $0x0  }
0x25: {  	[sflag:s21] =	ssyncadd.s32 $0xFFFFF060  }
0x26: {  	_ =	swait.ge [sflag:s21], $0xFA0  }
0x27: {  	[sflag:s21] =	ssyncset.done $0x0  }
0x28: {  	[sflag:s21] =	ssyncadd.s32 $0xFFFFF060  }
0x29: {  	[tilespmem:s23], [sflag:$0x3] =	stream.indirect.gather [hbm4b:s3+s22], $0x8, s2, s22, $0xb8;
	[tilespmem:$0x1FBD0] =	vst v63  }
0x2a: {  	_ = 	snop  }
0x2b: {  	[tilespmem:s22], [sflag:$0x2] =	stream.linear.gather [hbm4b:s9+s2], $0xFA0, $0x38;
	[tilespmem:$0x1FBD0] =	vst v63  }
0x2c: {  	_ = 	snop  }
0x2d: {  	[tilespmem:s24], [sflag:$0x2] =	stream.linear.gather [hbm4b:s10+s2], $0xFA0, $0x38;
	[tilespmem:$0x1FBD0] =	vst v63  }
0x2e: {  	_ =	swait.ge [sflag:s25], $0x7D00  }
0x2f: {  	[sflag:s25] =	ssyncset.done $0x0  }
0x30: {  	[sflag:s25] =	ssyncadd.s32 $0xFFFF8300  }
0x31: {  	[spmem:s1] =	stream.indirect.scatter.add.f32 [tilespmem:s23], [sflag:$0x5], $0x8, s20, s22, $0xb8;
	[tilespmem:$0x1FBD0] =	vst v63  }
0x32: {  	_ =	swait.ge [sflag:s26], $0xFA0  }
0x33: {  	[sflag:s26] =	ssyncset.done $0x0  }
0x34: {  	[sflag:s26] =	ssyncadd.s32 $0xFFFFF060  }
0x35: {  	_ =	swait.ge [sflag:s26], $0xFA0  }
0x36: {  	[sflag:s26] =	ssyncset.done $0x0  }
0x37: {  	[sflag:s26] =	ssyncadd.s32 $0xFFFFF060  }
0x38: {  	[tilespmem:s28], [sflag:$0x4] =	stream.indirect.gather [hbm4b:s3+s22], $0x8, s22, s22, $0xb8;
	[tilespmem:$0x1FBD0] =	vst v63  }
0x39: {  	_ =	swait.ge [sflag:s29], $0x7D00  }
0x3a: {  	[sflag:s29] =	ssyncset.done $0x0  }
0x3b: {  	[sflag:s29] =	ssyncadd.s32 $0xFFFF8300  }
0x3c: {  	[tilespmem:s2], [sflag:$0x1] =	stream.linear.gather [hbm4b:s11+s2], $0xFA0, $0x38;
	[tilespmem:$0x1FBD0] =	vst v63  }
0x3d: {  	_ = 	snop  }
0x3e: {  	[tilespmem:s20], [sflag:$0x1] =	stream.linear.gather [hbm4b:s12+s2], $0xFA0, $0x38;
	[tilespmem:$0x1FBD0] =	vst v63  }
0x3f: {  	_ =	swait.ge [sflag:s30], $0x7D00  }
0x40: {  	[sflag:s30] =	ssyncset.done $0x0  }
0x41: {  	[sflag:s30] =	ssyncadd.s32 $0xFFFF8300  }
0x42: {  	[spmem:s1] =	stream.indirect.scatter.add.f32 [tilespmem:s28], [sflag:$0x6], $0x8, s24, s22, $0xb8;
	[tilespmem:$0x1FBD0] =	vst v63  }
0x43: {  	_ =	swait.ge [sflag:s21], $0xFA0  }
0x44: {  	[sflag:s21] =	ssyncset.done $0x0  }
0x45: {  	[sflag:s21] =	ssyncadd.s32 $0xFFFFF060  }
0x46: {  	_ =	swait.ge [sflag:s21], $0xFA0  }
0x47: {  	[sflag:s21] =	ssyncset.done $0x0  }
0x48: {  	[sflag:s21] =	ssyncadd.s32 $0xFFFFF060  }
0x49: {  	[tilespmem:s23], [sflag:$0x3] =	stream.indirect.gather [hbm4b:s3+s22], $0x8, s2, s22, $0xb8;
	[tilespmem:$0x1FBD0] =	vst v63  }
0x4a: {  	_ =	swait.ge [sflag:s31], $0x7D00  }
0x4b: {  	[sflag:s31] =	ssyncset.done $0x0  }
0x4c: {  	s6 =	sadd.s32 $0x0, s17;
	[sflag:s31] =	ssyncadd.s32 $0xFFFF8300  }
0x4d: {  	[tilespmem:s22], [sflag:$0x2] =	stream.linear.gather [hbm4b:s6+s2], $0xFA0, $0x38;
	[tilespmem:$0x1FBD0] =	vst v63  }
0x4e: {  	s7 =	sadd.s32 $0x0, s18  }
0x4f: {  	[tilespmem:s24], [sflag:$0x2] =	stream.linear.gather [hbm4b:s7+s2], $0xFA0, $0x38;
	[tilespmem:$0x1FBD0] =	vst v63  }
0x50: {  	_ =	swait.ge [sflag:s25], $0x7D00  }
0x51: {  	[sflag:s25] =	ssyncset.done $0x0  }
0x52: {  	[sflag:s25] =	ssyncadd.s32 $0xFFFF8300  }
0x53: {  	[spmem:s1] =	stream.indirect.scatter.add.f32 [tilespmem:s23], [sflag:$0x5], $0x8, s20, s22, $0xb8;
	[tilespmem:$0x1FBD0] =	vst v63  }
0x54: {  	_ =	swait.ge [sflag:s26], $0xFA0  }
0x55: {  	[sflag:s26] =	ssyncset.done $0x0  }
0x56: {  	[sflag:s26] =	ssyncadd.s32 $0xFFFFF060  }
0x57: {  	_ =	swait.ge [sflag:s26], $0xFA0  }
0x58: {  	[sflag:s26] =	ssyncset.done $0x0  }
0x59: {  	[sflag:s26] =	ssyncadd.s32 $0xFFFFF060  }
0x5a: {  	[tilespmem:s28], [sflag:$0x4] =	stream.indirect.gather [hbm4b:s3+s22], $0x8, s22, s22, $0xb8;
	[tilespmem:$0x1FBD0] =	vst v63  }
0x5b: {  	_ =	swait.ge [sflag:s29], $0x7D00  }
0x5c: {  	[sflag:s29] =	ssyncset.done $0x0  }
0x5d: {  	s6 =	sadd.s32 $0x0, s15;
	[sflag:s29] =	ssyncadd.s32 $0xFFFF8300  }
0x5e: {  	[tilespmem:s2], [sflag:$0x1] =	stream.linear.gather [hbm4b:s6+s2], $0xFA0, $0x38;
	[tilespmem:$0x1FBD0] =	vst v63  }
0x5f: {  	s7 =	sadd.s32 $0x0, s16  }
0x60: {  	[tilespmem:s20], [sflag:$0x1] =	stream.linear.gather [hbm4b:s7+s2], $0xFA0, $0x38;
	[tilespmem:$0x1FBD0] =	vst v63  }
0x61: {  	_ =	swait.ge [sflag:s30], $0x7D00  }
0x62: {  	[sflag:s30] =	ssyncset.done $0x0  }
0x63: {  	s4 =	simm.s32 $0x3E8;
	[sflag:s30] =	ssyncadd.s32 $0xFFFF8300  }
.LBB2_2:
0x64: {  	[spmem:s1] =	stream.indirect.scatter.add.f32 [tilespmem:s28], [sflag:$0x6], $0x8, s24, s22, $0xb8;
	[tilespmem:$0x1FBD0] =	vst v63  }
0x65: {  	s6 =	smov.u32 s4;
	s4 =	sadd.s32 $0x3E8, s4;
	_ =	swait.ge [sflag:s21], $0xFA0  }
0x66: {  	p1 =	sne.s32 s4, $0x59D8;
	[sflag:s21] =	ssyncset.done $0x0  }
0x67: {  	[sflag:s21] =	ssyncadd.s32 $0xFFFFF060  }
0x68: {  	_ =	swait.ge [sflag:s21], $0xFA0  }
0x69: {  	[sflag:s21] =	ssyncset.done $0x0  }
0x6a: {  	[sflag:s21] =	ssyncadd.s32 $0xFFFFF060  }
0x6b: {  	[tilespmem:s23], [sflag:$0x3] =	stream.indirect.gather [hbm4b:s3+s22], $0x8, s2, s22, $0xb8;
	[tilespmem:$0x1FBD0] =	vst v63  }
0x6c: {  	_ =	swait.ge [sflag:s31], $0x7D00  }
0x6d: {  	[sflag:s31] =	ssyncset.done $0x0  }
0x6e: {  	s7 =	sadd.s32 s6, s17;
	[sflag:s31] =	ssyncadd.s32 $0xFFFF8300  }
0x6f: {  	[tilespmem:s22], [sflag:$0x2] =	stream.linear.gather [hbm4b:s7+s2], $0xFA0, $0x38;
	[tilespmem:$0x1FBD0] =	vst v63  }
0x70: {  	s7 =	sadd.s32 s6, s18  }
0x71: {  	[tilespmem:s24], [sflag:$0x2] =	stream.linear.gather [hbm4b:s7+s2], $0xFA0, $0x38;
	[tilespmem:$0x1FBD0] =	vst v63  }
0x72: {  	_ =	swait.ge [sflag:s25], $0x7D00  }
0x73: {  	[sflag:s25] =	ssyncset.done $0x0  }
0x74: {  	[sflag:s25] =	ssyncadd.s32 $0xFFFF8300  }
0x75: {  	[spmem:s1] =	stream.indirect.scatter.add.f32 [tilespmem:s23], [sflag:$0x5], $0x8, s20, s22, $0xb8;
	[tilespmem:$0x1FBD0] =	vst v63  }
0x76: {  	_ =	swait.ge [sflag:s26], $0xFA0  }
0x77: {  	[sflag:s26] =	ssyncset.done $0x0  }
0x78: {  	[sflag:s26] =	ssyncadd.s32 $0xFFFFF060  }
0x79: {  	_ =	swait.ge [sflag:s26], $0xFA0  }
0x7a: {  	[sflag:s26] =	ssyncset.done $0x0  }
0x7b: {  	[sflag:s26] =	ssyncadd.s32 $0xFFFFF060  }
0x7c: {  	[tilespmem:s28], [sflag:$0x4] =	stream.indirect.gather [hbm4b:s3+s22], $0x8, s22, s22, $0xb8;
	[tilespmem:$0x1FBD0] =	vst v63  }
0x7d: {  	_ =	swait.ge [sflag:s29], $0x7D00  }
0x7e: {  	[sflag:s29] =	ssyncset.done $0x0  }
0x7f: {  	s7 =	sadd.s32 s6, s15;
	[sflag:s29] =	ssyncadd.s32 $0xFFFF8300  }
0x80: {  	[tilespmem:s2], [sflag:$0x1] =	stream.linear.gather [hbm4b:s7+s2], $0xFA0, $0x38;
	[tilespmem:$0x1FBD0] =	vst v63  }
.Ltmp0:
0x81: {  	s6 =	sadd.s32 s6, s16;
	(pc) =	sbr.rel @p1 .LBB2_2-.Ltmp0, $4  }
0x82: {  	[tilespmem:s20], [sflag:$0x1] =	stream.linear.gather [hbm4b:s6+s2], $0xFA0, $0x38;
	[tilespmem:$0x1FBD0] =	vst v63  }
0x83: {  	_ =	swait.ge [sflag:s30], $0x7D00  }
0x84: {  	[sflag:s30] =	ssyncset.done $0x0  }
0x85: {  	[sflag:s30] =	ssyncadd.s32 $0xFFFF8300  }
0x86: {  	[spmem:s1] =	stream.indirect.scatter.add.f32 [tilespmem:s28], [sflag:$0x6], $0x8, s24, s22, $0xb8;
	[tilespmem:$0x1FBD0] =	vst v63  }
0x87: {  	_ =	swait.ge [sflag:s21], $0xFA0  }
0x88: {  	[sflag:s21] =	ssyncset.done $0x0  }
0x89: {  	[sflag:s21] =	ssyncadd.s32 $0xFFFFF060  }
0x8a: {  	_ =	swait.ge [sflag:s21], $0xFA0  }
0x8b: {  	[sflag:s21] =	ssyncset.done $0x0  }
0x8c: {  	[sflag:s21] =	ssyncadd.s32 $0xFFFFF060  }
0x8d: {  	[tilespmem:s23], [sflag:$0x3] =	stream.indirect.gather [hbm4b:s3+s22], $0x8, s2, s22, $0xb8;
	[tilespmem:$0x1FBD0] =	vst v63  }
0x8e: {  	_ =	swait.ge [sflag:s31], $0x7D00  }
0x8f: {  	[sflag:s31] =	ssyncset.done $0x0  }
0x90: {  	s6 =	sadd.s32 s4, s14;
	[sflag:s31] =	ssyncadd.s32 $0xFFFF8300  }
0x91: {  	[tilespmem:s22], [sflag:$0x2] =	stream.linear.gather [hbm4b:s6+s2], $0xFA0, $0x38;
	[tilespmem:$0x1FBD0] =	vst v63  }
0x92: {  	s7 =	sadd.s32 s4, s13  }
0x93: {  	[tilespmem:s24], [sflag:$0x2] =	stream.linear.gather [hbm4b:s7+s2], $0xFA0, $0x38;
	[tilespmem:$0x1FBD0] =	vst v63  }
0x94: {  	_ =	swait.ge [sflag:s25], $0x7D00  }
0x95: {  	[sflag:s25] =	ssyncset.done $0x0  }
0x96: {  	[sflag:s25] =	ssyncadd.s32 $0xFFFF8300  }
0x97: {  	[spmem:s1] =	stream.indirect.scatter.add.f32 [tilespmem:s23], [sflag:$0x5], $0x8, s20, s22, $0xb8;
	[tilespmem:$0x1FBD0] =	vst v63  }
0x98: {  	_ =	swait.ge [sflag:s26], $0xFA0  }
0x99: {  	[sflag:s26] =	ssyncset.done $0x0  }
0x9a: {  	[sflag:s26] =	ssyncadd.s32 $0xFFFFF060  }
0x9b: {  	_ =	swait.ge [sflag:s26], $0xFA0  }
0x9c: {  	[sflag:s26] =	ssyncset.done $0x0  }
0x9d: {  	[sflag:s26] =	ssyncadd.s32 $0xFFFFF060  }
0x9e: {  	[tilespmem:s28], [sflag:$0x4] =	stream.indirect.gather [hbm4b:s3+s22], $0x8, s22, s22, $0xb8;
	[tilespmem:$0x1FBD0] =	vst v63  }
0x9f: {  	_ =	swait.ge [sflag:s29], $0x7D00  }
0xa0: {  	[sflag:s29] =	ssyncset.done $0x0  }
0xa1: {  	[sflag:s29] =	ssyncadd.s32 $0xFFFF8300  }
0xa2: {  	_ =	swait.ge [sflag:s30], $0x7D00  }
0xa3: {  	[sflag:s30] =	ssyncset.done $0x0  }
0xa4: {  	[sflag:s30] =	ssyncadd.s32 $0xFFFF8300  }
0xa5: {  	[spmem:s1] =	stream.indirect.scatter.add.f32 [tilespmem:s28], [sflag:$0x6], $0x8, s24, s22, $0xb8;
	[tilespmem:$0x1FBD0] =	vst v63  }
0xa6: {  	_ =	swait.ge [sflag:s31], $0x7D00  }
0xa7: {  	[sflag:s31] =	ssyncset.done $0x0  }
0xa8: {  	[sflag:s31] =	ssyncadd.s32 $0xFFFF8300  }
0xa9: {  	s0 =	sadd.s32 $0x1, s0;
	[bflag:$0x0] =	sbarrier.arrive $0xFFFF  }
0xaa: {  	s4 =	simm.s32 @!p0 $0x1C07;
	p1 =	sne.s32 s0, s8;
	s6 =	rddreg [dreg:$0x5]  }
0xab: {  	[hbm:s6], [sflag:s4] =	dma.local @!p0 [spmem:s19], $0x186A0  }
.Ltmp1:
0xac: {  	_ = 	snop;
	(pc) =	sbr.rel @p1 .LBB2_1-.Ltmp1, $4  }
0xad: {  	s4 =	simm.s32 @!p0 $0x7  }
0xae: {  	_ =	swait.ge @!p0 [sflag:s4], $0x186A0  }
0xaf: {  	[sflag:s4] =	ssyncset.done @!p0 $0x0  }
0xb0: {  	[sflag:s4] =	ssyncadd.s32 @!p0 $0xFFFE7960  }
0xb1: {  	_ =	sfence.sel $0x180000  }
0xb2: {  	[bflag:$0x0] =	sbarrier.arrive $0xFFFF  }
0xb3: {  	_ =	strace $0x9000004D  }
0xb4: {  	[bflag:$0x2] =	sbarrier.arrive $0xFFFF  }
0xb5: {  	s0 =	rddreg [dreg:$0x2]  }
0xb6: {  	s0 =	sadd.s32 @!p0 $0x100000, s0  }
0xb7: {  	[sflag:s0] =	ssyncadd.tile.s32 @!p0 $0x1;
	_ =	shalt  }
.Lfunc_end2:
_tile_overlayer_lowered:
.L_overlay_start_2:
0xb8: {  	(tag) =	ssettag $0x2  }
0xb9: {  	s0 =	rddreg [dreg:$0x0];
	s2 =	stileid.u32  }
0xba: {  	s1 =	rddreg [dreg:$0x1];
	p0 =	sne.s32 s2, $0x0  }
0xbb: {  	s3 =	rddreg [dreg:$0x2];
	[bflag:$0x3] =	sbarrier.arrive $0xFFFF;
	s2 =	simm.s32 @!p0 $0x1C07  }
0xbc: {  	[timem:s3], [sflag:s2] =	dma.local @!p0 [hbm:s0], s1  }
0xbd: {  	s0 =	simm.s32 @!p0 $0x7  }
0xbe: {  	_ =	swait.ge @!p0 [sflag:s0], s1  }
0xbf: {  	s1 =	ssub.s32 @!p0 $0x0, s1;
	[sflag:s0] =	ssyncset.done @!p0 $0x0  }
0xc0: {  	[sflag:s0] =	ssyncadd.s32 @!p0 s1  }
0xc1: {  	[bflag:$0x3] =	sbarrier.arrive $0xFFFF  }
0xc2: {  	_ =	shalt  }

// kernel: kernel.14.cloned.1.call-start
scs
__scs_entry_jumppad:
0x0: {  	(pc) =	sbr.rel $0x88, $3  }
0x1: {  	(tag) =	ssettag $0x0;
	lr =	simm.s32 $0x1  }
0x2: {  	[smem:$0x3F9B] =	sst lr;
	_ =	strace $0xD0000000  }
0x3: {  	_ = 	snop  }
0x4: {  	_ = 	snop  }
0x5: {  	_ = 	snop  }
0x6: {  	_ = 	snop  }
0x7: {  	_ = 	snop  }
__scs_overlays_trampoline_lowered:
0x8: {  	[smem:$0x3FAA] =	sst s0  }
0x9: {  	[smem:$0x3FAB] =	sst s1  }
0xa: {  	[smem:$0x3FAC] =	sst s2  }
0xb: {  	[smem:$0x3FAD] =	sst s3  }
0xc: {  	[smem:$0x3FAE] =	sst s4  }
0xd: {  	[smem:$0x3FAF] =	sst s5  }
0xe: {  	[smem:$0x3FB0] =	sst s6  }
0xf: {  	[smem:$0x3FB1] =	sst s7  }
0x10: {  	[smem:$0x3FB2] =	sst s8  }
0x11: {  	[smem:$0x3FB3] =	sst s9;
	s0 =	simm.s32 @!p0 $0x0  }
0x12: {  	s1 =	sld [smem:$0x3F99];
	s0 =	simm.s32 @p0 $0x1  }
0x13: {  	[smem:$0x3FB4] =	sst s0;
	s0 =	simm.s32 @!p1 $0x0  }
0x14: {  	s2 =	sld [smem:$0x3F98];
	s0 =	simm.s32 @p1 $0x1  }
0x15: {  	[smem:$0x3FB5] =	sst s0;
	s0 =	simm.s32 @!p2 $0x0  }
0x16: {  	s3 =	sld [smem:$0x3FDB];
	s0 =	simm.s32 @p2 $0x1  }
0x17: {  	s4 =	simm.s32 $0x1BF5;
	[smem:$0x3FB7] =	sst s0  }
0x18: {  	s0 =	sld [smem:$0x3F9A];
	_ =	swait.ge [sflag:s4], $0x0  }
0x19: {  	s7 =	sld [smem:$0x3F9B]  }
0x1a: {  	s8 =	sadd.s32 $0xFFFFE003, lr  }
0x1b: {  	s9 =	sadd.s32 $0xFFFFFEF7, lr;
	s5 =	simm.s32 $0xFFFFFFFF;
	p2 =	slt.u32 s8, $0xFFFFF086  }
0x1c: {  	p1 =	slt.u32 s9, $0xF7A;
	s5 =	simm.s32 @!p2 $0x0  }
0x1d: {  	s5 =	simm.s32 @p1 $0x1;
	p0 =	seq.s32 s7, s2  }
0x1e: {  	s7 =	smul.u32 @!p0 $0xF7A, s2;
	p2 =	seq.s32 @!p0 s5, $0x0  }
0x1f: {  	s9 =	smul.u32 $0xF7A, s1;
	s8 =	simm.s32 @!p0 $0x1BF5;
	p2 =	por !p2, p0  }
0x20: {  	[sflag:s8] =	ssyncset.s32 @!p0 $0xFFFFF086;
	s6 =	sadd.s32 @!p0 s3, s7;
	s7 =	simm.s32 @!p0 $0x108  }
0x21: {  	s3 =	sadd.s32 s3, s9;
	s6 =	sadd.s32 @!p0 $0x88, s6;
	s7 =	simm.s32 @p2 $0x1082  }
0x22: {  	[simem:s7], [sflag:s8] =	dma.local @!p0 [hbm:s6], $0xF7A  }
0x23: {  	s9 =	sor.u32 $0xD0000000, s2;
	s6 =	simm.s32 $0x108;
	_ =	swait.ge @!p0 [sflag:s8], $0x0  }
0x24: {  	s3 =	sadd.s32 $0x88, s3;
	s6 =	simm.s32 @!p1 $0x1082;
	[sflag:s4] =	ssyncset.s32 $0xFFFFF086  }
0x25: {  	[simem:s6], [sflag:s4] =	dma.local [hbm:s3], $0xF7A  }
0x26: {  	[smem:$0x3F9B] =	sst s1;
	(tag) =	ssettag s2;
	_ =	strace s9  }
0x27: {  	s1 =	sld [smem:$0x3FAB]  }
0x28: {  	s2 =	sld [smem:$0x3FAC]  }
0x29: {  	s4 =	sld [smem:$0x3FAE]  }
0x2a: {  	p0 =	seq.s32 s5, $0x0;
	s5 =	sld [smem:$0x3FAF]  }
0x2b: {  	s6 =	sld [smem:$0x3FB0]  }
0x2c: {  	s7 =	sld [smem:$0x3FB1]  }
0x2d: {  	s3 =	simm.s32 $0x108;
	s8 =	sld [smem:$0x3FB2]  }
0x2e: {  	s3 =	simm.s32 @!p0 $0x1082;
	s9 =	sld [smem:$0x3FB3]  }
0x2f: {  	lr =	sadd.s32 s0, s3;
	s0 =	sld [smem:$0x3FAA]  }
0x30: {  	s3 =	sld [smem:$0x3FAD]  }
0x31: {  	[smem:$0x3FB6] =	sst s10  }
0x32: {  	s10 =	sld [smem:$0x3FB4];
	_ =	sdelay $0x3  }
0x33: {  	p0 =	seq.s32 s10, $0x1;
	s10 =	sld [smem:$0x3FB6];
	_ =	sdelay $0x3  }
0x34: {  	[smem:$0x3FB6] =	sst s10  }
0x35: {  	s10 =	sld [smem:$0x3FB5];
	_ =	sdelay $0x3  }
0x36: {  	p1 =	seq.s32 s10, $0x1;
	s10 =	sld [smem:$0x3FB6];
	_ =	sdelay $0x3  }
0x37: {  	[smem:$0x3FB6] =	sst s10  }
0x38: {  	s10 =	sld [smem:$0x3FB7]  }
0x39: {  	_ = 	snop;
	(pc) =	sbr.ind lr, $3  }
0x3a: {  	_ = 	snop  }
0x3b: {  	_ = 	snop  }
0x3c: {  	p2 =	seq.s32 s10, $0x1;
	s10 =	sld [smem:$0x3FB6]  }
0x3d: {  	_ =	shalt  }
0x3e: {  	_ =	shalt  }
0x3f: {  	_ =	shalt  }
0x40: {  	_ =	shalt  }
0x41: {  	_ =	shalt  }
0x42: {  	_ =	shalt  }
0x43: {  	_ =	shalt  }
0x44: {  	_ =	shalt  }
0x45: {  	_ =	shalt  }
0x46: {  	_ =	shalt  }
0x47: {  	_ =	shalt  }
0x48: {  	_ =	shalt  }
0x49: {  	_ =	shalt  }
0x4a: {  	_ =	shalt  }
0x4b: {  	_ =	shalt  }
0x4c: {  	_ =	shalt  }
0x4d: {  	_ =	shalt  }
0x4e: {  	_ =	shalt  }
0x4f: {  	_ =	shalt  }
0x50: {  	_ =	shalt  }
0x51: {  	_ =	shalt  }
0x52: {  	_ =	shalt  }
0x53: {  	_ =	shalt  }
0x54: {  	_ =	shalt  }
0x55: {  	_ =	shalt  }
0x56: {  	_ =	shalt  }
0x57: {  	_ =	shalt  }
0x58: {  	_ =	shalt  }
0x59: {  	_ =	shalt  }
0x5a: {  	_ =	shalt  }
0x5b: {  	_ =	shalt  }
0x5c: {  	_ =	shalt  }
0x5d: {  	_ =	shalt  }
0x5e: {  	_ =	shalt  }
0x5f: {  	_ =	shalt  }
0x60: {  	_ =	shalt  }
0x61: {  	_ =	shalt  }
0x62: {  	_ =	shalt  }
0x63: {  	_ =	shalt  }
0x64: {  	_ =	shalt  }
0x65: {  	_ =	shalt  }
0x66: {  	_ =	shalt  }
0x67: {  	_ =	shalt  }
0x68: {  	_ =	shalt  }
0x69: {  	_ =	shalt  }
0x6a: {  	_ =	shalt  }
0x6b: {  	_ =	shalt  }
0x6c: {  	_ =	shalt  }
0x6d: {  	_ =	shalt  }
0x6e: {  	_ =	shalt  }
0x6f: {  	_ =	shalt  }
0x70: {  	_ =	shalt  }
0x71: {  	_ =	shalt  }
0x72: {  	_ =	shalt  }
0x73: {  	_ =	shalt  }
0x74: {  	_ =	shalt  }
0x75: {  	_ =	shalt  }
0x76: {  	_ =	shalt  }
0x77: {  	_ =	shalt  }
0x78: {  	_ =	shalt  }
0x79: {  	_ =	shalt  }
0x7a: {  	_ =	shalt  }
0x7b: {  	_ =	shalt  }
0x7c: {  	_ =	shalt  }
0x7d: {  	_ =	shalt  }
0x7e: {  	_ =	shalt  }
0x7f: {  	_ =	shalt  }
0x80: {  	_ =	shalt  }
0x81: {  	_ =	shalt  }
0x82: {  	_ =	shalt  }
0x83: {  	_ =	shalt  }
0x84: {  	_ =	shalt  }
0x85: {  	_ =	shalt  }
0x86: {  	_ =	shalt  }
0x87: {  	_ =	shalt  }
.Lfunc_end0:
.L_simem_size_0:
called_computation.3_lowered:
.L_overlay_start_0:
0x88: {  	s2 =	sld [smem:$0x3FD9]  }
0x89: {  	s3 =	sld [smem:$0x3FFE];
	_ =	sdelay $0x1  }
0x8a: {  	s1 =	srdreg.scid  }
0x8b: {  	s0 =	sand.u32 $0x1, s1  }
0x8c: {  	s16 =	sshll.u32 s0, $0xA;
	s2 =	sadd.s32 s3, s2  }
0x8d: {  	s2 =	sadd.s32 s2, s16  }
0x8e: {  	[smem:$0x3FC2] =	sst s2  }
0x8f: {  	_ = 	snop  }
0x90: {  	(tm) =	ssettm $0x1  }
0x91: {  	s17 =	sld [smem:$0x3FFB];
	_ =	sdelay $0x3  }
0x92: {  	_ =	strace s17  }
0x93: {  	s2 =	sld [smem:$0x3FFC];
	_ =	sdelay $0x3  }
0x94: {  	_ =	strace s2  }
0x95: {  	s2 =	sld [smem:$0x3FFD];
	_ =	sdelay $0x3  }
0x96: {  	_ =	strace s2  }
0x97: {  	_ =	strace $0x8FFFFFFF  }
0x98: {  	s18 =	sld [smem:$0x3FDB];
	_ =	sdelay $0x1  }
0x99: {  	s19 =	simm.s32 $_scs_section_size  }
0x9a: {  	s4 =	simm.s32 $_size__tile_overlayer_lowered;
	s5 =	simm.s32 $_tile_overlayer_lowered  }
0x9b: {  	s22 =	simm.s32 $0x1BFF;
	s21 =	sshll.u32 s5, $0x1;
	s2 =	sadd.s32 s19, s18  }
0x9c: {  	s6 =	simm.s32 $0x0;
	s20 =	sshll.u32 s4, $0x1;
	s4 =	sadd.s32 s21, s2  }
0x9d: {  	[timem:s6], [sflag:s22] =	dma.local [hbm:s4], s20  }
0x9e: {  	_ =	swait.ge [sflag:s22], s20  }
0x9f: {  	s3 =	ssub.s32 $0x0, s20;
	[sflag:s22] =	ssyncset.done $0x0  }
0xa0: {  	[sflag:s22] =	ssyncadd.s32 s3;
	_ =	sdelay $0x1  }
0xa1: {  	s23 =	simm.s32 $0x1B8B  }
0xa2: {  	_ =	swait.ge [sflag:s23], $0x1  }
0xa3: {  	[sflag:s23] =	ssyncset.done $0x0  }
0xa4: {  	s25 =	simm.s32 $0x1B8E;
	s24 =	sld [smem:$0x3FFE];
	[sflag:s23] =	ssyncadd.s32 $0xFFFFFFFF  }
0xa5: {  	s26 =	simm.s32 $execute0_lowered;
	[smem:$0x3FD2] =	sst s25  }
0xa6: {  	s4 =	sshll.u32 s26, $0x1;
	_ =	strace $0x8000004F;
	[dreg:$0x1] =	wrdreg $0xFFFFFFFF  }
0xa7: {  	s28 =	simm.s32 $_size_execute0_lowered;
	s2 =	sadd.s32 s2, s4;
	[dreg:$0x0] =	wrdreg $0x0  }
0xa8: {  	s4 =	sshll.u32 s28, $0x1;
	[dreg:$0x2] =	wrdreg s2  }
0xa9: {  	[dreg:$0x3] =	wrdreg s4  }
0xaa: {  	[dreg:$0x4] =	wrdreg $0xC0  }
0xab: {  	_ =	task [dreg:s6], $0x5FFFF  }
0xac: {  	[dreg:$0x1] =	wrdreg $0xFFFFFFFF  }
0xad: {  	[dreg:$0x0] =	wrdreg $0x60  }
0xae: {  	[dreg:$0x2] =	wrdreg s24  }
0xaf: {  	[dreg:$0x3] =	wrdreg $0x138800  }
0xb0: {  	[dreg:$0x4] =	wrdreg $0x9  }
0xb1: {  	_ =	task.clear_ibuf [dreg:s6], $0x5FFFF;
	_ =	strace $0x9000004F  }
0xb2: {  	s29 =	simm.s32 $0x9;
	_ =	strace $0x80000051  }
0xb3: {  	_ =	swait.ge [sflag:s29], $0x1  }
0xb4: {  	[sflag:s29] =	ssyncadd.s32 $0xFFFFFFFF  }
0xb5: {  	_ =	strace $0x90000051  }
0xb6: {  	_ =	sfence  }
0xb7: {  	s30 =	sld [smem:$0x0];
	_ =	sdelay $0x2  }
0xb8: {  	s31 =	sshll.u32 s1, $0xD;
	s1 =	sshrl.u32 s1, $0x2  }
0xb9: {  	s3 =	sand.u32 $0x4000, s31;
	s1 =	sadd.s32 s1, s30  }
0xba: {  	s0 =	sor.u32 s3, s0;
	s1 =	sshll.u32 s1, $0x11  }
0xbb: {  	s0 =	sor.u32 s1, s0  }
0xbc: {  	s0 =	sadd.s32 $0x8F2B, s0  }
0xbd: {  	[sflag:s0] =	ssyncadd.remote.s32 $0x1  }
0xbe: {  	_ =	sfence.sel $0xFFFF  }
0xbf: {  	[dreg:$0x0] =	wrdreg $0xFFFFFFFF;
	(pc) =	sbr.abs _section_cstart, $3  }
0xc0: {  	[dreg:$0x1] =	wrdreg $0xFFFFFFFF  }
0xc1: {  	_ =	task.clear_ibuf [dreg:s6], $0x2FFFF;
	_ =	strace $0x9FFFFFFF  }
0xc2: {  	(tm) =	ssettm $0x7FFFFFFF  }
0xc3: {  	_ =	shalt  }
tec
execute0_lowered:
.L_overlay_start_1:
0x0: {  	(tag) =	ssettag $0x1  }
0x1: {  	s0 =	rddreg [dreg:$0x0]  }
0x2: {  	s1 =	rddreg [dreg:$0x1]  }
0x3: {  	s3 =	srdreg.scid;
	s2 =	simm.s32 $0x0;
	s17 =	stileid.u32  }
0x4: {  	s20 =	simm.s32 $0x1F40;
	s28 =	simm.s32 $0xBB80;
	s29 =	simm.s32 $0x5  }
0x5: {  	s30 =	simm.s32 $0x4;
	s31 =	simm.s32 $0x6;
	s4 =	sand.u32 $0x1, s3  }
0x6: {  	[smem:$0x7FF] =	sst s2;
	s18 =	sadd.s32 $0x2400, s0;
	s7 =	sadd.s32 $0x188E00, s0  }
0x7: {  	s9 =	smul.u32 $0x30D40, s17;
	p0 =	sne.s32 s17, $0x0;
	s3 =	sshll.u32 s4, $0x4  }
0x8: {  	_ =	strace $0x80000050;
	s5 =	smul.u32 $0x186A0, s4;
	[dreg:$0x3] =	wrdreg s7  }
0x9: {  	s21 =	ssub.s32 $0x2, s4;
	s4 =	smul.u32 $0x30D400, s4;
	s19 =	sshrl.u32 @!p0 s1, $0x3  }
0xa: {  	s6 =	sor.u32 s17, s3;
	s3 =	sadd.s32 $0x1A1600, s0;
	s8 =	sshrl.u32 s21, $0x1  }
0xb: {  	s6 =	smul.u32 $0x30D40, s6;
	s0 =	sadd.s32 s5, s0;
	s8 =	ssub.s32 s21, s8  }
0xc: {  	s22 =	sadd.s32 s9, s4;
	s21 =	simm.s32 $0x1;
	s0 =	sadd.s32 $0x1B9E00, s0  }
0xd: {  	s8 =	smax.u32 s8, $0x1;
	s4 =	sadd.s32 $0x61F620, s22;
	s14 =	sadd.s32 $0x4E20, s22  }
0xe: {  	s24 =	sadd.s32 $0x3E80, s22;
	s16 =	sadd.s32 $0x61E680, s22;
	s26 =	sadd.s32 $0x2EE0, s22  }
0xf: {  	s6 =	sshrl.u32 s6, $0x3;
	[dreg:$0x5] =	wrdreg s0;
	s4 =	sshrl.u32 s4, $0x3  }
0x10: {  	s23 =	sshrl.u32 s14, $0x3;
	s15 =	sshrl.u32 s24, $0x3;
	s25 =	sshrl.u32 s16, $0x3  }
0x11: {  	s0 =	sadd.s32 $0x61D6E0, s22;
	s22 =	simm.s32 $0xFA0;
	s24 =	simm.s32 $0x2EE0  }
0x12: {  	s5 =	sadd.s32 s18, s6;
	s4 =	sadd.s32 s4, s18;
	s15 =	sadd.s32 s15, s18  }
0x13: {  	s16 =	sadd.s32 s25, s18;
	s0 =	sshrl.u32 s0, $0x3;
	s25 =	simm.s32 $0x3  }
0x14: {  	s6 =	sadd.s32 $0xC3500, s5;
	s9 =	sadd.s32 $0x1F4, s5;
	s10 =	sadd.s32 $0xC36F4, s5  }
0x15: {  	s11 =	sadd.s32 $0x3E8, s5;
	s12 =	sadd.s32 $0xC38E8, s5;
	s13 =	sadd.s32 $0xFFFFFC18, s4  }
0x16: {  	s4 =	sadd.s32 s23, s18;
	s23 =	simm.s32 $0x3E80;
	[dreg:$0x4] =	wrdreg s6  }
0x17: {  	s14 =	sadd.s32 $0xFFFFFC18, s4;
	s4 =	sshrl.u32 s26, $0x3;
	s26 =	simm.s32 $0x2  }
0x18: {  	s17 =	sadd.s32 s4, s18;
	s18 =	sadd.s32 s0, s18;
	s0 =	simm.s32 $0x0  }
.LBB2_1:
0x19: {  	s4 =	simm.s32 @!p0 $0x1C07;
	s6 =	rddreg [dreg:$0x3]  }
0x1a: {  	[spmem:s19], [sflag:s4] =	dma.local @!p0 [hbm:s6], $0x186A0  }
0x1b: {  	s4 =	simm.s32 @!p0 $0x7  }
0x1c: {  	_ =	swait.ge @!p0 [sflag:s4], $0x186A0  }
0x1d: {  	[sflag:s4] =	ssyncset.done @!p0 $0x0  }
0x1e: {  	[sflag:s4] =	ssyncadd.s32 @!p0 $0xFFFE7960  }
0x1f: {  	[bflag:$0x0] =	sbarrier.arrive $0xFFFF  }
0x20: {  	[tilespmem:s2], [sflag:$0x1] =	stream.linear.gather [hbm4b:s5+s2], $0xFA0, $0x38;
	[tilespmem:$0x1FBD0] =	vst v63  }
0x21: {  	s7 =	rddreg [dreg:$0x4]  }
0x22: {  	[tilespmem:s20], [sflag:$0x1] =	stream.linear.gather [hbm4b:s7+s2], $0xFA0, $0x38;
	[tilespmem:$0x1FBD0] =	vst v63  }
0x23: {  	_ =	swait.ge [sflag:s21], $0xFA0  }
0x24: {  	[sflag:s21] =	ssyncset.done $0x0  }
0x25: {  	[sflag:s21] =	ssyncadd.s32 $0xFFFFF060  }
0x26: {  	_ =	swait.ge [sflag:s21], $0xFA0  }
0x27: {  	[sflag:s21] =	ssyncset.done $0x0  }
0x28: {  	[sflag:s21] =	ssyncadd.s32 $0xFFFFF060  }
0x29: {  	[tilespmem:s23], [sflag:$0x3] =	stream.indirect.gather [hbm4b:s3+s22], $0x8, s2, s22, $0xb8;
	[tilespmem:$0x1FBD0] =	vst v63  }
0x2a: {  	_ = 	snop  }
0x2b: {  	[tilespmem:s22], [sflag:$0x2] =	stream.linear.gather [hbm4b:s9+s2], $0xFA0, $0x38;
	[tilespmem:$0x1FBD0] =	vst v63  }
0x2c: {  	_ = 	snop  }
0x2d: {  	[tilespmem:s24], [sflag:$0x2] =	stream.linear.gather [hbm4b:s10+s2], $0xFA0, $0x38;
	[tilespmem:$0x1FBD0] =	vst v63  }
0x2e: {  	_ =	swait.ge [sflag:s25], $0x7D00  }
0x2f: {  	[sflag:s25] =	ssyncset.done $0x0  }
0x30: {  	[sflag:s25] =	ssyncadd.s32 $0xFFFF8300  }
0x31: {  	[spmem:s1] =	stream.indirect.scatter.add.f32 [tilespmem:s23], [sflag:$0x5], $0x8, s20, s22, $0xb8;
	[tilespmem:$0x1FBD0] =	vst v63  }
0x32: {  	_ =	swait.ge [sflag:s26], $0xFA0  }
0x33: {  	[sflag:s26] =	ssyncset.done $0x0  }
0x34: {  	[sflag:s26] =	ssyncadd.s32 $0xFFFFF060  }
0x35: {  	_ =	swait.ge [sflag:s26], $0xFA0  }
0x36: {  	[sflag:s26] =	ssyncset.done $0x0  }
0x37: {  	[sflag:s26] =	ssyncadd.s32 $0xFFFFF060  }
0x38: {  	[tilespmem:s28], [sflag:$0x4] =	stream.indirect.gather [hbm4b:s3+s22], $0x8, s22, s22, $0xb8;
	[tilespmem:$0x1FBD0] =	vst v63  }
0x39: {  	_ =	swait.ge [sflag:s29], $0x7D00  }
0x3a: {  	[sflag:s29] =	ssyncset.done $0x0  }
0x3b: {  	[sflag:s29] =	ssyncadd.s32 $0xFFFF8300  }
0x3c: {  	[tilespmem:s2], [sflag:$0x1] =	stream.linear.gather [hbm4b:s11+s2], $0xFA0, $0x38;
	[tilespmem:$0x1FBD0] =	vst v63  }
0x3d: {  	_ = 	snop  }
0x3e: {  	[tilespmem:s20], [sflag:$0x1] =	stream.linear.gather [hbm4b:s12+s2], $0xFA0, $0x38;
	[tilespmem:$0x1FBD0] =	vst v63  }
0x3f: {  	_ =	swait.ge [sflag:s30], $0x7D00  }
0x40: {  	[sflag:s30] =	ssyncset.done $0x0  }
0x41: {  	[sflag:s30] =	ssyncadd.s32 $0xFFFF8300  }
0x42: {  	[spmem:s1] =	stream.indirect.scatter.add.f32 [tilespmem:s28], [sflag:$0x6], $0x8, s24, s22, $0xb8;
	[tilespmem:$0x1FBD0] =	vst v63  }
0x43: {  	_ =	swait.ge [sflag:s21], $0xFA0  }
0x44: {  	[sflag:s21] =	ssyncset.done $0x0  }
0x45: {  	[sflag:s21] =	ssyncadd.s32 $0xFFFFF060  }
0x46: {  	_ =	swait.ge [sflag:s21], $0xFA0  }
0x47: {  	[sflag:s21] =	ssyncset.done $0x0  }
0x48: {  	[sflag:s21] =	ssyncadd.s32 $0xFFFFF060  }
0x49: {  	[tilespmem:s23], [sflag:$0x3] =	stream.indirect.gather [hbm4b:s3+s22], $0x8, s2, s22, $0xb8;
	[tilespmem:$0x1FBD0] =	vst v63  }
0x4a: {  	_ =	swait.ge [sflag:s31], $0x7D00  }
0x4b: {  	[sflag:s31] =	ssyncset.done $0x0  }
0x4c: {  	s6 =	sadd.s32 $0x0, s17;
	[sflag:s31] =	ssyncadd.s32 $0xFFFF8300  }
0x4d: {  	[tilespmem:s22], [sflag:$0x2] =	stream.linear.gather [hbm4b:s6+s2], $0xFA0, $0x38;
	[tilespmem:$0x1FBD0] =	vst v63  }
0x4e: {  	s7 =	sadd.s32 $0x0, s18  }
0x4f: {  	[tilespmem:s24], [sflag:$0x2] =	stream.linear.gather [hbm4b:s7+s2], $0xFA0, $0x38;
	[tilespmem:$0x1FBD0] =	vst v63  }
0x50: {  	_ =	swait.ge [sflag:s25], $0x7D00  }
0x51: {  	[sflag:s25] =	ssyncset.done $0x0  }
0x52: {  	[sflag:s25] =	ssyncadd.s32 $0xFFFF8300  }
0x53: {  	[spmem:s1] =	stream.indirect.scatter.add.f32 [tilespmem:s23], [sflag:$0x5], $0x8, s20, s22, $0xb8;
	[tilespmem:$0x1FBD0] =	vst v63  }
0x54: {  	_ =	swait.ge [sflag:s26], $0xFA0  }
0x55: {  	[sflag:s26] =	ssyncset.done $0x0  }
0x56: {  	[sflag:s26] =	ssyncadd.s32 $0xFFFFF060  }
0x57: {  	_ =	swait.ge [sflag:s26], $0xFA0  }
0x58: {  	[sflag:s26] =	ssyncset.done $0x0  }
0x59: {  	[sflag:s26] =	ssyncadd.s32 $0xFFFFF060  }
0x5a: {  	[tilespmem:s28], [sflag:$0x4] =	stream.indirect.gather [hbm4b:s3+s22], $0x8, s22, s22, $0xb8;
	[tilespmem:$0x1FBD0] =	vst v63  }
0x5b: {  	_ =	swait.ge [sflag:s29], $0x7D00  }
0x5c: {  	[sflag:s29] =	ssyncset.done $0x0  }
0x5d: {  	s6 =	sadd.s32 $0x0, s15;
	[sflag:s29] =	ssyncadd.s32 $0xFFFF8300  }
0x5e: {  	[tilespmem:s2], [sflag:$0x1] =	stream.linear.gather [hbm4b:s6+s2], $0xFA0, $0x38;
	[tilespmem:$0x1FBD0] =	vst v63  }
0x5f: {  	s7 =	sadd.s32 $0x0, s16  }
0x60: {  	[tilespmem:s20], [sflag:$0x1] =	stream.linear.gather [hbm4b:s7+s2], $0xFA0, $0x38;
	[tilespmem:$0x1FBD0] =	vst v63  }
0x61: {  	_ =	swait.ge [sflag:s30], $0x7D00  }
0x62: {  	[sflag:s30] =	ssyncset.done $0x0  }
0x63: {  	s4 =	simm.s32 $0x3E8;
	[sflag:s30] =	ssyncadd.s32 $0xFFFF8300  }
.LBB2_2:
0x64: {  	[spmem:s1] =	stream.indirect.scatter.add.f32 [tilespmem:s28], [sflag:$0x6], $0x8, s24, s22, $0xb8;
	[tilespmem:$0x1FBD0] =	vst v63  }
0x65: {  	s6 =	smov.u32 s4;
	s4 =	sadd.s32 $0x3E8, s4;
	_ =	swait.ge [sflag:s21], $0xFA0  }
0x66: {  	p1 =	sne.s32 s4, $0x59D8;
	[sflag:s21] =	ssyncset.done $0x0  }
0x67: {  	[sflag:s21] =	ssyncadd.s32 $0xFFFFF060  }
0x68: {  	_ =	swait.ge [sflag:s21], $0xFA0  }
0x69: {  	[sflag:s21] =	ssyncset.done $0x0  }
0x6a: {  	[sflag:s21] =	ssyncadd.s32 $0xFFFFF060  }
0x6b: {  	[tilespmem:s23], [sflag:$0x3] =	stream.indirect.gather [hbm4b:s3+s22], $0x8, s2, s22, $0xb8;
	[tilespmem:$0x1FBD0] =	vst v63  }
0x6c: {  	_ =	swait.ge [sflag:s31], $0x7D00  }
0x6d: {  	[sflag:s31] =	ssyncset.done $0x0  }
0x6e: {  	s7 =	sadd.s32 s6, s17;
	[sflag:s31] =	ssyncadd.s32 $0xFFFF8300  }
0x6f: {  	[tilespmem:s22], [sflag:$0x2] =	stream.linear.gather [hbm4b:s7+s2], $0xFA0, $0x38;
	[tilespmem:$0x1FBD0] =	vst v63  }
0x70: {  	s7 =	sadd.s32 s6, s18  }
0x71: {  	[tilespmem:s24], [sflag:$0x2] =	stream.linear.gather [hbm4b:s7+s2], $0xFA0, $0x38;
	[tilespmem:$0x1FBD0] =	vst v63  }
0x72: {  	_ =	swait.ge [sflag:s25], $0x7D00  }
0x73: {  	[sflag:s25] =	ssyncset.done $0x0  }
0x74: {  	[sflag:s25] =	ssyncadd.s32 $0xFFFF8300  }
0x75: {  	[spmem:s1] =	stream.indirect.scatter.add.f32 [tilespmem:s23], [sflag:$0x5], $0x8, s20, s22, $0xb8;
	[tilespmem:$0x1FBD0] =	vst v63  }
0x76: {  	_ =	swait.ge [sflag:s26], $0xFA0  }
0x77: {  	[sflag:s26] =	ssyncset.done $0x0  }
0x78: {  	[sflag:s26] =	ssyncadd.s32 $0xFFFFF060  }
0x79: {  	_ =	swait.ge [sflag:s26], $0xFA0  }
0x7a: {  	[sflag:s26] =	ssyncset.done $0x0  }
0x7b: {  	[sflag:s26] =	ssyncadd.s32 $0xFFFFF060  }
0x7c: {  	[tilespmem:s28], [sflag:$0x4] =	stream.indirect.gather [hbm4b:s3+s22], $0x8, s22, s22, $0xb8;
	[tilespmem:$0x1FBD0] =	vst v63  }
0x7d: {  	_ =	swait.ge [sflag:s29], $0x7D00  }
0x7e: {  	[sflag:s29] =	ssyncset.done $0x0  }
0x7f: {  	s7 =	sadd.s32 s6, s15;
	[sflag:s29] =	ssyncadd.s32 $0xFFFF8300  }
0x80: {  	[tilespmem:s2], [sflag:$0x1] =	stream.linear.gather [hbm4b:s7+s2], $0xFA0, $0x38;
	[tilespmem:$0x1FBD0] =	vst v63  }
.Ltmp0:
0x81: {  	s6 =	sadd.s32 s6, s16;
	(pc) =	sbr.rel @p1 .LBB2_2-.Ltmp0, $4  }
0x82: {  	[tilespmem:s20], [sflag:$0x1] =	stream.linear.gather [hbm4b:s6+s2], $0xFA0, $0x38;
	[tilespmem:$0x1FBD0] =	vst v63  }
0x83: {  	_ =	swait.ge [sflag:s30], $0x7D00  }
0x84: {  	[sflag:s30] =	ssyncset.done $0x0  }
0x85: {  	[sflag:s30] =	ssyncadd.s32 $0xFFFF8300  }
0x86: {  	[spmem:s1] =	stream.indirect.scatter.add.f32 [tilespmem:s28], [sflag:$0x6], $0x8, s24, s22, $0xb8;
	[tilespmem:$0x1FBD0] =	vst v63  }
0x87: {  	_ =	swait.ge [sflag:s21], $0xFA0  }
0x88: {  	[sflag:s21] =	ssyncset.done $0x0  }
0x89: {  	[sflag:s21] =	ssyncadd.s32 $0xFFFFF060  }
0x8a: {  	_ =	swait.ge [sflag:s21], $0xFA0  }
0x8b: {  	[sflag:s21] =	ssyncset.done $0x0  }
0x8c: {  	[sflag:s21] =	ssyncadd.s32 $0xFFFFF060  }
0x8d: {  	[tilespmem:s23], [sflag:$0x3] =	stream.indirect.gather [hbm4b:s3+s22], $0x8, s2, s22, $0xb8;
	[tilespmem:$0x1FBD0] =	vst v63  }
0x8e: {  	_ =	swait.ge [sflag:s31], $0x7D00  }
0x8f: {  	[sflag:s31] =	ssyncset.done $0x0  }
0x90: {  	s6 =	sadd.s32 s4, s14;
	[sflag:s31] =	ssyncadd.s32 $0xFFFF8300  }
0x91: {  	[tilespmem:s22], [sflag:$0x2] =	stream.linear.gather [hbm4b:s6+s2], $0xFA0, $0x38;
	[tilespmem:$0x1FBD0] =	vst v63  }
0x92: {  	s7 =	sadd.s32 s4, s13  }
0x93: {  	[tilespmem:s24], [sflag:$0x2] =	stream.linear.gather [hbm4b:s7+s2], $0xFA0, $0x38;
	[tilespmem:$0x1FBD0] =	vst v63  }
0x94: {  	_ =	swait.ge [sflag:s25], $0x7D00  }
0x95: {  	[sflag:s25] =	ssyncset.done $0x0  }
0x96: {  	[sflag:s25] =	ssyncadd.s32 $0xFFFF8300  }
0x97: {  	[spmem:s1] =	stream.indirect.scatter.add.f32 [tilespmem:s23], [sflag:$0x5], $0x8, s20, s22, $0xb8;
	[tilespmem:$0x1FBD0] =	vst v63  }
0x98: {  	_ =	swait.ge [sflag:s26], $0xFA0  }
0x99: {  	[sflag:s26] =	ssyncset.done $0x0  }
0x9a: {  	[sflag:s26] =	ssyncadd.s32 $0xFFFFF060  }
0x9b: {  	_ =	swait.ge [sflag:s26], $0xFA0  }
0x9c: {  	[sflag:s26] =	ssyncset.done $0x0  }
0x9d: {  	[sflag:s26] =	ssyncadd.s32 $0xFFFFF060  }
0x9e: {  	[tilespmem:s28], [sflag:$0x4] =	stream.indirect.gather [hbm4b:s3+s22], $0x8, s22, s22, $0xb8;
	[tilespmem:$0x1FBD0] =	vst v63  }
0x9f: {  	_ =	swait.ge [sflag:s29], $0x7D00  }
0xa0: {  	[sflag:s29] =	ssyncset.done $0x0  }
0xa1: {  	[sflag:s29] =	ssyncadd.s32 $0xFFFF8300  }
0xa2: {  	_ =	swait.ge [sflag:s30], $0x7D00  }
0xa3: {  	[sflag:s30] =	ssyncset.done $0x0  }
0xa4: {  	[sflag:s30] =	ssyncadd.s32 $0xFFFF8300  }
0xa5: {  	[spmem:s1] =	stream.indirect.scatter.add.f32 [tilespmem:s28], [sflag:$0x6], $0x8, s24, s22, $0xb8;
	[tilespmem:$0x1FBD0] =	vst v63  }
0xa6: {  	_ =	swait.ge [sflag:s31], $0x7D00  }
0xa7: {  	[sflag:s31] =	ssyncset.done $0x0  }
0xa8: {  	[sflag:s31] =	ssyncadd.s32 $0xFFFF8300  }
0xa9: {  	s0 =	sadd.s32 $0x1, s0;
	[bflag:$0x0] =	sbarrier.arrive $0xFFFF  }
0xaa: {  	s4 =	simm.s32 @!p0 $0x1C07;
	p1 =	sne.s32 s0, s8;
	s6 =	rddreg [dreg:$0x5]  }
0xab: {  	[hbm:s6], [sflag:s4] =	dma.local @!p0 [spmem:s19], $0x186A0  }
.Ltmp1:
0xac: {  	_ = 	snop;
	(pc) =	sbr.rel @p1 .LBB2_1-.Ltmp1, $4  }
0xad: {  	s4 =	simm.s32 @!p0 $0x7  }
0xae: {  	_ =	swait.ge @!p0 [sflag:s4], $0x186A0  }
0xaf: {  	[sflag:s4] =	ssyncset.done @!p0 $0x0  }
0xb0: {  	[sflag:s4] =	ssyncadd.s32 @!p0 $0xFFFE7960  }
0xb1: {  	_ =	sfence.sel $0x180000  }
0xb2: {  	[bflag:$0x0] =	sbarrier.arrive $0xFFFF  }
0xb3: {  	_ =	strace $0x90000050  }
0xb4: {  	[bflag:$0x2] =	sbarrier.arrive $0xFFFF  }
0xb5: {  	s0 =	rddreg [dreg:$0x2]  }
0xb6: {  	s0 =	sadd.s32 @!p0 $0x100000, s0  }
0xb7: {  	[sflag:s0] =	ssyncadd.tile.s32 @!p0 $0x1;
	_ =	shalt  }
.Lfunc_end2:
_tile_overlayer_lowered:
.L_overlay_start_2:
0xb8: {  	(tag) =	ssettag $0x2  }
0xb9: {  	s0 =	rddreg [dreg:$0x0];
	s2 =	stileid.u32  }
0xba: {  	s1 =	rddreg [dreg:$0x1];
	p0 =	sne.s32 s2, $0x0  }
0xbb: {  	s3 =	rddreg [dreg:$0x2];
	[bflag:$0x3] =	sbarrier.arrive $0xFFFF;
	s2 =	simm.s32 @!p0 $0x1C07  }
0xbc: {  	[timem:s3], [sflag:s2] =	dma.local @!p0 [hbm:s0], s1  }
0xbd: {  	s0 =	simm.s32 @!p0 $0x7  }
0xbe: {  	_ =	swait.ge @!p0 [sflag:s0], s1  }
0xbf: {  	s1 =	ssub.s32 @!p0 $0x0, s1;
	[sflag:s0] =	ssyncset.done @!p0 $0x0  }
0xc0: {  	[sflag:s0] =	ssyncadd.s32 @!p0 s1  }
0xc1: {  	[bflag:$0x3] =	sbarrier.arrive $0xFFFF  }
0xc2: {  	_ =	shalt  }

// kernel: kernel.8.cloned.1.call-start
scs
__scs_entry_jumppad:
0x0: {  	(pc) =	sbr.rel $0x88, $3  }
0x1: {  	(tag) =	ssettag $0x0;
	lr =	simm.s32 $0x1  }
0x2: {  	[smem:$0x3F9B] =	sst lr;
	_ =	strace $0xD0000000  }
0x3: {  	_ = 	snop  }
0x4: {  	_ = 	snop  }
0x5: {  	_ = 	snop  }
0x6: {  	_ = 	snop  }
0x7: {  	_ = 	snop  }
__scs_overlays_trampoline_lowered:
0x8: {  	[smem:$0x3FAA] =	sst s0  }
0x9: {  	[smem:$0x3FAB] =	sst s1  }
0xa: {  	[smem:$0x3FAC] =	sst s2  }
0xb: {  	[smem:$0x3FAD] =	sst s3  }
0xc: {  	[smem:$0x3FAE] =	sst s4  }
0xd: {  	[smem:$0x3FAF] =	sst s5  }
0xe: {  	[smem:$0x3FB0] =	sst s6  }
0xf: {  	[smem:$0x3FB1] =	sst s7  }
0x10: {  	[smem:$0x3FB2] =	sst s8  }
0x11: {  	[smem:$0x3FB3] =	sst s9;
	s0 =	simm.s32 @!p0 $0x0  }
0x12: {  	s1 =	sld [smem:$0x3F99];
	s0 =	simm.s32 @p0 $0x1  }
0x13: {  	[smem:$0x3FB4] =	sst s0;
	s0 =	simm.s32 @!p1 $0x0  }
0x14: {  	s2 =	sld [smem:$0x3F98];
	s0 =	simm.s32 @p1 $0x1  }
0x15: {  	[smem:$0x3FB5] =	sst s0;
	s0 =	simm.s32 @!p2 $0x0  }
0x16: {  	s3 =	sld [smem:$0x3FDB];
	s0 =	simm.s32 @p2 $0x1  }
0x17: {  	s4 =	simm.s32 $0x1BF5;
	[smem:$0x3FB7] =	sst s0  }
0x18: {  	s0 =	sld [smem:$0x3F9A];
	_ =	swait.ge [sflag:s4], $0x0  }
0x19: {  	s7 =	sld [smem:$0x3F9B]  }
0x1a: {  	s8 =	sadd.s32 $0xFFFFE003, lr  }
0x1b: {  	s9 =	sadd.s32 $0xFFFFFEF7, lr;
	s5 =	simm.s32 $0xFFFFFFFF;
	p2 =	slt.u32 s8, $0xFFFFF086  }
0x1c: {  	p1 =	slt.u32 s9, $0xF7A;
	s5 =	simm.s32 @!p2 $0x0  }
0x1d: {  	s5 =	simm.s32 @p1 $0x1;
	p0 =	seq.s32 s7, s2  }
0x1e: {  	s7 =	smul.u32 @!p0 $0xF7A, s2;
	p2 =	seq.s32 @!p0 s5, $0x0  }
0x1f: {  	s9 =	smul.u32 $0xF7A, s1;
	s8 =	simm.s32 @!p0 $0x1BF5;
	p2 =	por !p2, p0  }
0x20: {  	[sflag:s8] =	ssyncset.s32 @!p0 $0xFFFFF086;
	s6 =	sadd.s32 @!p0 s3, s7;
	s7 =	simm.s32 @!p0 $0x108  }
0x21: {  	s3 =	sadd.s32 s3, s9;
	s6 =	sadd.s32 @!p0 $0x88, s6;
	s7 =	simm.s32 @p2 $0x1082  }
0x22: {  	[simem:s7], [sflag:s8] =	dma.local @!p0 [hbm:s6], $0xF7A  }
0x23: {  	s9 =	sor.u32 $0xD0000000, s2;
	s6 =	simm.s32 $0x108;
	_ =	swait.ge @!p0 [sflag:s8], $0x0  }
0x24: {  	s3 =	sadd.s32 $0x88, s3;
	s6 =	simm.s32 @!p1 $0x1082;
	[sflag:s4] =	ssyncset.s32 $0xFFFFF086  }
0x25: {  	[simem:s6], [sflag:s4] =	dma.local [hbm:s3], $0xF7A  }
0x26: {  	[smem:$0x3F9B] =	sst s1;
	(tag) =	ssettag s2;
	_ =	strace s9  }
0x27: {  	s1 =	sld [smem:$0x3FAB]  }
0x28: {  	s2 =	sld [smem:$0x3FAC]  }
0x29: {  	s4 =	sld [smem:$0x3FAE]  }
0x2a: {  	p0 =	seq.s32 s5, $0x0;
	s5 =	sld [smem:$0x3FAF]  }
0x2b: {  	s6 =	sld [smem:$0x3FB0]  }
0x2c: {  	s7 =	sld [smem:$0x3FB1]  }
0x2d: {  	s3 =	simm.s32 $0x108;
	s8 =	sld [smem:$0x3FB2]  }
0x2e: {  	s3 =	simm.s32 @!p0 $0x1082;
	s9 =	sld [smem:$0x3FB3]  }
0x2f: {  	lr =	sadd.s32 s0, s3;
	s0 =	sld [smem:$0x3FAA]  }
0x30: {  	s3 =	sld [smem:$0x3FAD]  }
0x31: {  	[smem:$0x3FB6] =	sst s10  }
0x32: {  	s10 =	sld [smem:$0x3FB4];
	_ =	sdelay $0x3  }
0x33: {  	p0 =	seq.s32 s10, $0x1;
	s10 =	sld [smem:$0x3FB6];
	_ =	sdelay $0x3  }
0x34: {  	[smem:$0x3FB6] =	sst s10  }
0x35: {  	s10 =	sld [smem:$0x3FB5];
	_ =	sdelay $0x3  }
0x36: {  	p1 =	seq.s32 s10, $0x1;
	s10 =	sld [smem:$0x3FB6];
	_ =	sdelay $0x3  }
0x37: {  	[smem:$0x3FB6] =	sst s10  }
0x38: {  	s10 =	sld [smem:$0x3FB7]  }
0x39: {  	_ = 	snop;
	(pc) =	sbr.ind lr, $3  }
0x3a: {  	_ = 	snop  }
0x3b: {  	_ = 	snop  }
0x3c: {  	p2 =	seq.s32 s10, $0x1;
	s10 =	sld [smem:$0x3FB6]  }
0x3d: {  	_ =	shalt  }
0x3e: {  	_ =	shalt  }
0x3f: {  	_ =	shalt  }
0x40: {  	_ =	shalt  }
0x41: {  	_ =	shalt  }
0x42: {  	_ =	shalt  }
0x43: {  	_ =	shalt  }
0x44: {  	_ =	shalt  }
0x45: {  	_ =	shalt  }
0x46: {  	_ =	shalt  }
0x47: {  	_ =	shalt  }
0x48: {  	_ =	shalt  }
0x49: {  	_ =	shalt  }
0x4a: {  	_ =	shalt  }
0x4b: {  	_ =	shalt  }
0x4c: {  	_ =	shalt  }
0x4d: {  	_ =	shalt  }
0x4e: {  	_ =	shalt  }
0x4f: {  	_ =	shalt  }
0x50: {  	_ =	shalt  }
0x51: {  	_ =	shalt  }
0x52: {  	_ =	shalt  }
0x53: {  	_ =	shalt  }
0x54: {  	_ =	shalt  }
0x55: {  	_ =	shalt  }
0x56: {  	_ =	shalt  }
0x57: {  	_ =	shalt  }
0x58: {  	_ =	shalt  }
0x59: {  	_ =	shalt  }
0x5a: {  	_ =	shalt  }
0x5b: {  	_ =	shalt  }
0x5c: {  	_ =	shalt  }
0x5d: {  	_ =	shalt  }
0x5e: {  	_ =	shalt  }
0x5f: {  	_ =	shalt  }
0x60: {  	_ =	shalt  }
0x61: {  	_ =	shalt  }
0x62: {  	_ =	shalt  }
0x63: {  	_ =	shalt  }
0x64: {  	_ =	shalt  }
0x65: {  	_ =	shalt  }
0x66: {  	_ =	shalt  }
0x67: {  	_ =	shalt  }
0x68: {  	_ =	shalt  }
0x69: {  	_ =	shalt  }
0x6a: {  	_ =	shalt  }
0x6b: {  	_ =	shalt  }
0x6c: {  	_ =	shalt  }
0x6d: {  	_ =	shalt  }
0x6e: {  	_ =	shalt  }
0x6f: {  	_ =	shalt  }
0x70: {  	_ =	shalt  }
0x71: {  	_ =	shalt  }
0x72: {  	_ =	shalt  }
0x73: {  	_ =	shalt  }
0x74: {  	_ =	shalt  }
0x75: {  	_ =	shalt  }
0x76: {  	_ =	shalt  }
0x77: {  	_ =	shalt  }
0x78: {  	_ =	shalt  }
0x79: {  	_ =	shalt  }
0x7a: {  	_ =	shalt  }
0x7b: {  	_ =	shalt  }
0x7c: {  	_ =	shalt  }
0x7d: {  	_ =	shalt  }
0x7e: {  	_ =	shalt  }
0x7f: {  	_ =	shalt  }
0x80: {  	_ =	shalt  }
0x81: {  	_ =	shalt  }
0x82: {  	_ =	shalt  }
0x83: {  	_ =	shalt  }
0x84: {  	_ =	shalt  }
0x85: {  	_ =	shalt  }
0x86: {  	_ =	shalt  }
0x87: {  	_ =	shalt  }
.Lfunc_end0:
.L_simem_size_0:
called_computation.1_lowered:
.L_overlay_start_0:
0x88: {  	s2 =	sld [smem:$0x3FD9]  }
0x89: {  	s3 =	sld [smem:$0x3FFE];
	_ =	sdelay $0x1  }
0x8a: {  	s1 =	srdreg.scid  }
0x8b: {  	s0 =	sand.u32 $0x1, s1  }
0x8c: {  	s17 =	sshll.u32 s0, $0xA;
	s2 =	sadd.s32 s3, s2  }
0x8d: {  	s2 =	sadd.s32 s2, s17  }
0x8e: {  	[smem:$0x3FC2] =	sst s2  }
0x8f: {  	_ = 	snop  }
0x90: {  	s2 =	sld [smem:$0x3FD0];
	(tm) =	ssettm $0x1  }
0x91: {  	s18 =	sld [smem:$0x3FFB];
	_ =	sdelay $0x3  }
0x92: {  	_ =	strace s18  }
0x93: {  	s3 =	sld [smem:$0x3FFC];
	_ =	sdelay $0x3  }
0x94: {  	_ =	strace s3  }
0x95: {  	s3 =	sld [smem:$0x3FFD];
	_ =	sdelay $0x3  }
0x96: {  	_ =	strace s3  }
0x97: {  	_ =	strace $0x8FFFFFFF  }
0x98: {  	s19 =	sld [smem:$0x3FDB];
	_ =	sdelay $0x1  }
0x99: {  	s4 =	simm.s32 $_scs_section_size  }
0x9a: {  	s5 =	simm.s32 $_size__tile_overlayer_lowered;
	s6 =	simm.s32 $_tile_overlayer_lowered  }
0x9b: {  	s22 =	simm.s32 $0x1BFF;
	s21 =	sshll.u32 s6, $0x1;
	s3 =	sadd.s32 s4, s19  }
0x9c: {  	s7 =	simm.s32 $0x0;
	s20 =	sshll.u32 s5, $0x1;
	s5 =	sadd.s32 s21, s3  }
0x9d: {  	[timem:s7], [sflag:s22] =	dma.local [hbm:s5], s20  }
0x9e: {  	_ =	swait.ge [sflag:s22], s20  }
0x9f: {  	s4 =	ssub.s32 $0x0, s20;
	[sflag:s22] =	ssyncset.done $0x0  }
0xa0: {  	[sflag:s22] =	ssyncadd.s32 s4;
	_ =	sdelay $0x1  }
0xa1: {  	s23 =	simm.s32 $0x1B8B  }
0xa2: {  	_ =	swait.ge [sflag:s23], $0x1  }
0xa3: {  	[sflag:s23] =	ssyncset.done $0x0  }
0xa4: {  	s25 =	simm.s32 $0x1B8E;
	s24 =	sld [smem:$0x3FFE];
	[sflag:s23] =	ssyncadd.s32 $0xFFFFFFFF  }
0xa5: {  	s26 =	simm.s32 $execute0_lowered;
	[smem:$0x3FD2] =	sst s25  }
0xa6: {  	s5 =	sshll.u32 s26, $0x1;
	_ =	strace $0x80000049;
	[dreg:$0x1] =	wrdreg $0xFFFFFFFF  }
0xa7: {  	s28 =	simm.s32 $_size_execute0_lowered;
	s3 =	sadd.s32 s3, s5;
	[dreg:$0x0] =	wrdreg $0x0  }
0xa8: {  	s5 =	sshll.u32 s28, $0x1;
	[dreg:$0x2] =	wrdreg s3  }
0xa9: {  	[dreg:$0x3] =	wrdreg s5  }
0xaa: {  	[dreg:$0x4] =	wrdreg $0xC0  }
0xab: {  	_ =	task [dreg:s7], $0x5FFFF  }
0xac: {  	[dreg:$0x1] =	wrdreg $0xFFFFFFFF  }
0xad: {  	[dreg:$0x0] =	wrdreg $0x60  }
0xae: {  	[dreg:$0x2] =	wrdreg s24  }
0xaf: {  	[dreg:$0x3] =	wrdreg s2  }
0xb0: {  	[dreg:$0x4] =	wrdreg $0xC3500  }
0xb1: {  	[dreg:$0x5] =	wrdreg $0x9  }
0xb2: {  	_ =	task.clear_ibuf [dreg:s7], $0x6FFFF;
	_ =	strace $0x90000049  }
0xb3: {  	s29 =	simm.s32 $0x9;
	_ =	strace $0x8000004B  }
0xb4: {  	_ =	swait.ge [sflag:s29], $0x1  }
0xb5: {  	[sflag:s29] =	ssyncadd.s32 $0xFFFFFFFF  }
0xb6: {  	_ =	strace $0x9000004B  }
0xb7: {  	_ =	sfence  }
0xb8: {  	s30 =	sld [smem:$0x0];
	_ =	sdelay $0x2  }
0xb9: {  	s31 =	sshll.u32 s1, $0xD;
	s1 =	sshrl.u32 s1, $0x2  }
0xba: {  	s3 =	sand.u32 $0x4000, s31;
	s1 =	sadd.s32 s1, s30  }
0xbb: {  	s0 =	sor.u32 s3, s0;
	s1 =	sshll.u32 s1, $0x11  }
0xbc: {  	s0 =	sor.u32 s1, s0  }
0xbd: {  	s0 =	sadd.s32 $0x8F2B, s0  }
0xbe: {  	[sflag:s0] =	ssyncadd.remote.s32 $0x1  }
0xbf: {  	_ =	sfence.sel $0xFFFF  }
0xc0: {  	[dreg:$0x0] =	wrdreg $0xFFFFFFFF;
	(pc) =	sbr.abs _section_cstart, $3  }
0xc1: {  	[dreg:$0x1] =	wrdreg $0xFFFFFFFF  }
0xc2: {  	_ =	task.clear_ibuf [dreg:s7], $0x2FFFF;
	_ =	strace $0x9FFFFFFF  }
0xc3: {  	(tm) =	ssettm $0x7FFFFFFF  }
tec
execute0_lowered:
.L_overlay_start_1:
0x0: {  	(tag) =	ssettag $0x1  }
0x1: {  	s5 =	rddreg [dreg:$0x0]  }
0x2: {  	s1 =	rddreg [dreg:$0x1]  }
0x3: {  	s0 =	srdreg.scid;
	s2 =	rddreg [dreg:$0x2]  }
0x4: {  	s12 =	stileid.u32;
	s3 =	simm.s32 $0x0;
	s15 =	simm.s32 $0x1  }
0x5: {  	s16 =	simm.s32 $0x1388;
	s17 =	simm.s32 $0x2;
	s18 =	simm.s32 $0x3  }
0x6: {  	s19 =	simm.s32 $0x4;
	s6 =	sand.u32 $0x1, s0;
	s0 =	rddreg [dreg:$0x3]  }
0x7: {  	s20 =	simm.s32 $0x0;
	[smem:$0x7FF] =	sst s3;
	s11 =	sadd.s32 $0x2400, s5  }
0x8: {  	s14 =	smul.u32 $0x30D40, s12;
	p0 =	sne.s32 s12, $0x0;
	s4 =	sshll.u32 s6, $0x4  }
0x9: {  	s7 =	smul.u32 $0x186A0, s6;
	_ =	strace $0x8000004A;
	s9 =	ssub.s32 $0x2, s6  }
0xa: {  	s13 =	smul.u32 $0x30D400, s6;
	s4 =	sor.u32 s12, s4;
	s28 =	sshrl.u32 s9, $0x1  }
0xb: {  	s12 =	simm.s32 $0x2710;
	s8 =	smul.u32 $0x30D40, s4;
	s4 =	sadd.s32 $0x188E00, s5  }
0xc: {  	s7 =	sadd.s32 s7, s5;
	s9 =	ssub.s32 s9, s28;
	s29 =	sadd.s32 s14, s13  }
0xd: {  	s6 =	sadd.s32 $0x1A1600, s7;
	s7 =	smax.u32 s9, $0x1;
	s13 =	sadd.s32 $0x61F620, s29  }
.Ltmp0:
0xe: {  	s14 =	sadd.s32 $0x61E298, s29;
	s26 =	sshrl.u32 s8, $0x3;
	(pc) =	sbr.rel .LBB2_1-.Ltmp0, $4  }
0xf: {  	s8 =	sadd.s32 $0x61BB88, s8;
	s30 =	sshrl.u32 s13, $0x3;
	s31 =	sshrl.u32 s14, $0x3  }
0x10: {  	s13 =	simm.s32 $0x5;
	s10 =	sadd.s32 s11, s26;
	s8 =	sshrl.u32 s8, $0x3  }
0x11: {  	s14 =	sshrl.u32 @!p0 s2, $0x3;
	s5 =	sadd.s32 $0xC3500, s10;
	s8 =	sadd.s32 s11, s8  }
0x12: {  	s9 =	sadd.s32 $0xC39E2, s10;
	s10 =	sadd.s32 s30, s11;
	s11 =	sadd.s32 s31, s11  }
.LBB2_4:
0x13: {  	_ =	swait.ge [sflag:s19], $0x9C40  }
0x14: {  	[sflag:s19] =	ssyncset.done $0x0  }
0x15: {  	s20 =	sadd.s32 $0x1, s20;
	[sflag:s19] =	ssyncadd.s32 $0xFFFF63C0  }
0x16: {  	s21 =	simm.s32 @!p0 $0x1C05;
	p1 =	sne.s32 s20, s7;
	[bflag:$0x0] =	sbarrier.arrive $0xFFFF  }
0x17: {  	[hbm:s6], [sflag:s21] =	dma.local @!p0 [spmem:s14], $0x186A0  }
.Ltmp1:
0x18: {  	_ = 	snop;
	(pc) =	sbr.rel @!p1 .LBB2_5-.Ltmp1, $4  }
0x19: {  	s21 =	simm.s32 @!p0 $0x5  }
0x1a: {  	_ =	swait.ge @!p0 [sflag:s21], $0x186A0  }
0x1b: {  	[sflag:s21] =	ssyncset.done @!p0 $0x0  }
0x1c: {  	[sflag:s21] =	ssyncadd.s32 @!p0 $0xFFFE7960  }
.LBB2_1:
0x1d: {  	[tilespmem:s12], [sflag:$0x5] =	stream.linear.gather [hbm4b:s1+s3], $0x9C40, $0x38;
	[tilespmem:$0x186A0] =	vst v63  }
0x1e: {  	_ =	swait.ge [sflag:s13], $0x9C40  }
0x1f: {  	[sflag:s13] =	ssyncset.done $0x0  }
0x20: {  	s21 =	simm.s32 @!p0 $0x1C05;
	[sflag:s13] =	ssyncadd.s32 $0xFFFF63C0  }
0x21: {  	[spmem:s14], [sflag:s21] =	dma.local @!p0 [hbm:s4], $0x186A0  }
0x22: {  	s21 =	simm.s32 @!p0 $0x5  }
0x23: {  	_ =	swait.ge @!p0 [sflag:s21], $0x186A0  }
0x24: {  	[sflag:s21] =	ssyncset.done @!p0 $0x0  }
0x25: {  	[sflag:s21] =	ssyncadd.s32 @!p0 $0xFFFE7960  }
0x26: {  	[bflag:$0x0] =	sbarrier.arrive $0xFFFF  }
0x27: {  	[tilespmem:s3], [sflag:$0x1] =	stream.linear.gather [hbm4b:s5+s3], $0x1388, $0x38;
	[tilespmem:$0x186A0] =	vst v63  }
0x28: {  	_ =	swait.ge [sflag:s15], $0x1388  }
0x29: {  	[sflag:s15] =	ssyncset.done $0x0  }
0x2a: {  	[sflag:s15] =	ssyncadd.s32 $0xFFFFEC78  }
0x2b: {  	[spmem:s2] =	stream.indirect.scatter.add.f32 [tilespmem:s12], [sflag:$0x3], $0x8, s3, s16, $0xb8;
	[tilespmem:$0x186A0] =	vst v63  }
0x2c: {  	_ = 	snop  }
0x2d: {  	[tilespmem:s16], [sflag:$0x2] =	stream.linear.gather [hbm4b:s8+s3], $0x1388, $0x38;
	[tilespmem:$0x186A0] =	vst v63  }
0x2e: {  	_ =	swait.ge [sflag:s17], $0x1388  }
0x2f: {  	[sflag:s17] =	ssyncset.done $0x0  }
0x30: {  	[sflag:s17] =	ssyncadd.s32 $0xFFFFEC78  }
0x31: {  	[spmem:s2] =	stream.indirect.scatter.add.f32 [tilespmem:s12], [sflag:$0x4], $0x8, s16, s16, $0xb8;
	[tilespmem:$0x186A0] =	vst v63  }
0x32: {  	_ =	swait.ge [sflag:s18], $0x9C40  }
0x33: {  	[sflag:s18] =	ssyncset.done $0x0  }
0x34: {  	s21 =	simm.s32 $0x0;
	[sflag:s18] =	ssyncadd.s32 $0xFFFF63C0  }
0x35: {  	[tilespmem:s3], [sflag:$0x1] =	stream.linear.gather [hbm4b:s9+s3], $0x1388, $0x38;
	[tilespmem:$0x186A0] =	vst v63  }
.LBB2_2:
0x36: {  	_ =	swait.ge [sflag:s15], $0x1388  }
0x37: {  	[sflag:s15] =	ssyncset.done $0x0  }
0x38: {  	[sflag:s15] =	ssyncadd.s32 $0xFFFFEC78  }
0x39: {  	[spmem:s2] =	stream.indirect.scatter.add.f32 [tilespmem:s12], [sflag:$0x3], $0x8, s3, s16, $0xb8;
	[tilespmem:$0x186A0] =	vst v63  }
0x3a: {  	_ =	swait.ge [sflag:s19], $0x9C40  }
0x3b: {  	[sflag:s19] =	ssyncset.done $0x0  }
0x3c: {  	s22 =	sadd.s32 s21, s11;
	[sflag:s19] =	ssyncadd.s32 $0xFFFF63C0  }
0x3d: {  	[tilespmem:s16], [sflag:$0x2] =	stream.linear.gather [hbm4b:s22+s3], $0x1388, $0x38;
	[tilespmem:$0x186A0] =	vst v63  }
0x3e: {  	_ =	swait.ge [sflag:s17], $0x1388  }
0x3f: {  	p1 =	seq.s32 s21, $0x57E4;
	[sflag:s17] =	ssyncset.done $0x0  }
.Ltmp2:
0x40: {  	[sflag:s17] =	ssyncadd.s32 $0xFFFFEC78;
	(pc) =	sbr.rel @p1 .LBB2_4-.Ltmp2, $4  }
0x41: {  	[spmem:s2] =	stream.indirect.scatter.add.f32 [tilespmem:s12], [sflag:$0x4], $0x8, s16, s16, $0xb8;
	[tilespmem:$0x186A0] =	vst v63  }
0x42: {  	_ =	swait.ge [sflag:s18], $0x9C40  }
0x43: {  	[sflag:s18] =	ssyncset.done $0x0  }
0x44: {  	[sflag:s18] =	ssyncadd.s32 $0xFFFF63C0  }
.Ltmp3:
0x45: {  	(pc) =	sbr.rel .LBB2_2-.Ltmp3, $3  }
0x46: {  	_ =	sdelay $0x1  }
0x47: {  	s22 =	sadd.s32 s21, s10;
	s21 =	sadd.s32 $0x4E2, s21  }
0x48: {  	[tilespmem:s3], [sflag:$0x1] =	stream.linear.gather [hbm4b:s22+s3], $0x1388, $0x38;
	[tilespmem:$0x186A0] =	vst v63  }
.LBB2_5:
0x49: {  	_ =	sfence.sel $0x180000  }
0x4a: {  	[bflag:$0x0] =	sbarrier.arrive $0xFFFF  }
0x4b: {  	_ =	strace $0x9000004A  }
0x4c: {  	s0 =	sadd.s32 @!p0 $0x100000, s0;
	[bflag:$0x2] =	sbarrier.arrive $0xFFFF  }
0x4d: {  	[sflag:s0] =	ssyncadd.tile.s32 @!p0 $0x1;
	_ =	shalt  }
.Lfunc_end2:
_tile_overlayer_lowered:
.L_overlay_start_2:
0x4e: {  	(tag) =	ssettag $0x2  }
0x4f: {  	s0 =	rddreg [dreg:$0x0];
	s2 =	stileid.u32  }
0x50: {  	s1 =	rddreg [dreg:$0x1];
	p0 =	sne.s32 s2, $0x0  }
0x51: {  	s3 =	rddreg [dreg:$0x2];
	[bflag:$0x3] =	sbarrier.arrive $0xFFFF;
	s2 =	simm.s32 @!p0 $0x1C05  }
0x52: {  	[timem:s3], [sflag:s2] =	dma.local @!p0 [hbm:s0], s1  }
0x53: {  	s0 =	simm.s32 @!p0 $0x5  }
0x54: {  	_ =	swait.ge @!p0 [sflag:s0], s1  }
0x55: {  	s1 =	ssub.s32 @!p0 $0x0, s1;
	[sflag:s0] =	ssyncset.done @!p0 $0x0  }
0x56: {  	[sflag:s0] =	ssyncadd.s32 @!p0 s1  }
0x57: {  	[bflag:$0x3] =	sbarrier.arrive $0xFFFF  }
0x58: {  	_ =	shalt  }

// kernel: sparse-core-data-format-call.cloned.1.call-start
scs
called_computation_lowered:
.L_overlay_start_0:
0x0: {  	s2 =	sld [smem:$0x3FD9]  }
0x1: {  	s3 =	sld [smem:$0x3FFE];
	_ =	sdelay $0x1  }
0x2: {  	s1 =	srdreg.scid  }
0x3: {  	s0 =	sand.u32 $0x1, s1  }
0x4: {  	s18 =	sshll.u32 s0, $0xA;
	s2 =	sadd.s32 s3, s2  }
0x5: {  	s2 =	sadd.s32 s2, s18  }
0x6: {  	[smem:$0x3FC2] =	sst s2  }
0x7: {  	_ = 	snop  }
0x8: {  	s2 =	sld [smem:$0x3FC8];
	(tm) =	ssettm $0x1  }
0x9: {  	s19 =	sld [smem:$0x3FFB];
	_ =	sdelay $0x3  }
0xa: {  	_ =	strace s19  }
0xb: {  	s3 =	sld [smem:$0x3FFC];
	_ =	sdelay $0x3  }
0xc: {  	_ =	strace s3  }
0xd: {  	s3 =	sld [smem:$0x3FFD];
	_ =	sdelay $0x3  }
0xe: {  	_ =	strace s3  }
0xf: {  	_ =	strace $0x8FFFFFFF  }
0x10: {  	s20 =	sld [smem:$0x3FDB];
	_ =	sdelay $0x1  }
0x11: {  	s4 =	simm.s32 $_scs_section_size  }
0x12: {  	s5 =	simm.s32 $_size__tile_overlayer_lowered;
	s6 =	simm.s32 $_tile_overlayer_lowered  }
0x13: {  	s23 =	simm.s32 $0x1BFF;
	s22 =	sshll.u32 s6, $0x1;
	s3 =	sadd.s32 s4, s20  }
0x14: {  	s7 =	simm.s32 $0x0;
	s21 =	sshll.u32 s5, $0x1;
	s5 =	sadd.s32 s22, s3  }
0x15: {  	[timem:s7], [sflag:s23] =	dma.local [hbm:s5], s21  }
0x16: {  	_ =	swait.ge [sflag:s23], s21  }
0x17: {  	s4 =	ssub.s32 $0x0, s21;
	[sflag:s23] =	ssyncset.done $0x0  }
0x18: {  	[sflag:s23] =	ssyncadd.s32 s4;
	_ =	sdelay $0x1  }
0x19: {  	s24 =	simm.s32 $0x1B8B  }
0x1a: {  	_ =	swait.ge [sflag:s24], $0x1  }
0x1b: {  	[sflag:s24] =	ssyncset.done $0x0  }
0x1c: {  	s26 =	simm.s32 $0x1B8E;
	s25 =	sld [smem:$0x3FFE];
	[sflag:s24] =	ssyncadd.s32 $0xFFFFFFFF  }
0x1d: {  	s27 =	simm.s32 $execute0_lowered;
	[smem:$0x3FD2] =	sst s26  }
0x1e: {  	s5 =	sshll.u32 s27, $0x1;
	_ =	strace $0x80000046;
	[dreg:$0x1] =	wrdreg $0xFFFFFFFF  }
0x1f: {  	s28 =	simm.s32 $_size_execute0_lowered;
	s3 =	sadd.s32 s3, s5;
	[dreg:$0x0] =	wrdreg $0x0  }
0x20: {  	s5 =	sshll.u32 s28, $0x1;
	[dreg:$0x2] =	wrdreg s3  }
0x21: {  	[dreg:$0x3] =	wrdreg s5  }
0x22: {  	[dreg:$0x4] =	wrdreg $0xC0  }
0x23: {  	_ =	task [dreg:s7], $0x5FFFF  }
0x24: {  	[dreg:$0x1] =	wrdreg $0xFFFFFFFF  }
0x25: {  	[dreg:$0x0] =	wrdreg $0x60  }
0x26: {  	[dreg:$0x2] =	wrdreg s2  }
0x27: {  	[dreg:$0x3] =	wrdreg s25  }
0x28: {  	[dreg:$0x4] =	wrdreg $0x9  }
0x29: {  	_ =	task.clear_ibuf [dreg:s7], $0x5FFFF;
	_ =	strace $0x90000046  }
0x2a: {  	s29 =	simm.s32 $0x9;
	_ =	strace $0x80000048  }
0x2b: {  	_ =	swait.ge [sflag:s29], $0x1  }
0x2c: {  	[sflag:s29] =	ssyncadd.s32 $0xFFFFFFFF  }
0x2d: {  	_ =	strace $0x90000048  }
0x2e: {  	_ =	sfence  }
0x2f: {  	s30 =	sld [smem:$0x0];
	_ =	sdelay $0x2  }
0x30: {  	s31 =	sshll.u32 s1, $0xD;
	s1 =	sshrl.u32 s1, $0x2  }
0x31: {  	s3 =	sand.u32 $0x4000, s31;
	s1 =	sadd.s32 s1, s30  }
0x32: {  	s0 =	sor.u32 s3, s0;
	s1 =	sshll.u32 s1, $0x11  }
0x33: {  	s0 =	sor.u32 s1, s0  }
0x34: {  	s0 =	sadd.s32 $0x8F2B, s0  }
0x35: {  	[sflag:s0] =	ssyncadd.remote.s32 $0x1  }
0x36: {  	_ =	sfence.sel $0xFFFF  }
0x37: {  	[dreg:$0x0] =	wrdreg $0xFFFFFFFF;
	(pc) =	sbr.abs _section_cstart, $3  }
0x38: {  	[dreg:$0x1] =	wrdreg $0xFFFFFFFF  }
0x39: {  	_ =	task.clear_ibuf [dreg:s7], $0x2FFFF;
	_ =	strace $0x9FFFFFFF  }
0x3a: {  	(tm) =	ssettm $0x7FFFFFFF  }
0x3b: {  	_ =	shalt  }
tec
execute0_lowered:
.L_overlay_start_1:
0x0: {  	(tag) =	ssettag $0x1  }
0x1: {  	s0 =	stileid.u32;
	s7 =	rddreg [dreg:$0x0]  }
0x2: {  	s1 =	srdreg.scid;
	s4 =	rddreg [dreg:$0x1]  }
0x3: {  	s30 =	simm.s32 $0x2;
	s10 =	simm.s32 $0x0;
	s14 =	simm.s32 $0x0  }
0x4: {  	s15 =	simm.s32 $0x0;
	s11 =	simm.s32 $0x0;
	s13 =	simm.s32 $0x0  }
0x5: {  	s2 =	sand.u32 $0x1, s1;
	s3 =	sshll.u32 s0, $0x7;
	s1 =	rddreg [dreg:$0x2]  }
0x6: {  	_ =	strace $0x80000047;
	s5 =	ssub.s32 $0xC300, s3;
	s6 =	ssub.s32 $0x2, s2  }
.Ltmp0:
0x7: {  	s5 =	sshrl.u32 s5, $0xB;
	s8 =	sshrl.u32 s6, $0x1;
	(pc) =	sbr.rel .LBB1_1-.Ltmp0, $4  }
0x8: {  	s4 =	sadd.s32 $0x2400, s4;
	s9 =	sadd.s32 $0x1, s5;
	s6 =	ssub.s32 s6, s8  }
0x9: {  	s31 =	sshll.u32 s2, $0x4;
	s5 =	simm.s32 $0x1;
	s6 =	smul.u32 s9, s6  }
0xa: {  	s12 =	smov.u32 s3;
	s7 =	sadd.s32 s7, s31;
	[sflag:s5] =	ssyncpa.u1 $0x0  }
0xb: {  	s9 =	simm.s32 $0x0;
	[sflag:s30] =	ssyncpa.u1 $0x0;
	s8 =	sadd.s32 $0x1, s6  }
.LBB1_4:
0xc: {  	s21 =	simm.s32 $0x0  }
.LBB1_8:
0xd: {  	_ =	sdelay $0x3  }
0xe: {  	v6 =	vld [tilespmem:s18+$0xFFFFFFC0];
	[tilespmem:v0+s20+$0x30 ss:$0x1] =	vst.idx.msk @p0 $0xffff, v2  }
0xf: {  	v58 =	vld [tilespmem:s18+$0xFFFFFFD0];
	[tilespmem:v0+s20+$0x40 ss:$0x1] =	vst.idx.msk @p0 $0xffff, v3;
	s21 =	sadd.s32 @p0 $0x80, s21  }
0x10: {  	v59 =	vld [tilespmem:s18+$0xFFFFFFE0];
	[tilespmem:v0+s20+$0x50 ss:$0x1] =	vst.idx.msk @p0 $0xffff, v5;
	s19 =	smov.u32 @p0 s21  }
0x11: {  	v60 =	vld [tilespmem:s18+$0xFFFFFFF0];
	[tilespmem:v0+s20+$0x60 ss:$0x1] =	vst.idx.msk @p0 $0xffff, v4;
	s19 =	sand.u32 $0x3F80, s19  }
0x12: {  	v61 =	vld [tilespmem:s18+$0x0];
	[tilespmem:v0+s19+$0x70 ss:$0x1] =	vst.idx.msk $0xffff, v1  }
0x13: {  	v62 =	vld [tilespmem:s18+$0x10];
	[tilespmem:v0+s19+$0x0 ss:$0x1] =	vst.idx.msk $0xffff, v6  }
0x14: {  	v63 =	vld [tilespmem:s18+$0x20];
	[tilespmem:v0+s19+$0x10 ss:$0x1] =	vst.idx.msk $0xffff, v58  }
0x15: {  	[tilespmem:v0+s19+$0x20 ss:$0x1] =	vst.idx.msk $0xffff, v59  }
0x16: {  	[tilespmem:v0+s19+$0x30 ss:$0x1] =	vst.idx.msk $0xffff, v60  }
0x17: {  	[tilespmem:v0+s19+$0x40 ss:$0x1] =	vst.idx.msk $0xffff, v61  }
0x18: {  	[tilespmem:v0+s19+$0x50 ss:$0x1] =	vst.idx.msk $0xffff, v62  }
0x19: {  	[tilespmem:v0+s19+$0x60 ss:$0x1] =	vst.idx.msk $0xffff, v63  }
.LBB1_9:
0x1a: {  	s18 =	sand.u32 $0x1FFFFFF, s11  }
0x1b: {  	s19 =	smulhi.u32 $0x14F8B59, s18;
	_ =	sdelay $0x1  }
0x1c: {  	s19 =	sshrl.u32 s19, $0x8  }
0x1d: {  	s19 =	smul.u32 $0xC350, s19  }
0x1e: {  	s15 =	smul.u32 $0xC3500, s15  }
0x1f: {  	s18 =	ssub.s32 s18, s19  }
0x20: {  	s15 =	sadd.s32 s4, s15;
	s18 =	sshll.u32 s18, $0x4  }
0x21: {  	s15 =	sadd.s32 s18, s15  }
0x22: {  	[hbm4b:s15+s9] =	stream.linear.scatter [tilespmem:s17], [sflag:$0x2], s16, $0x38;
	[tilespmem:$0x10000] =	vst v63  }
.LBB1_10:
0x23: {  	p0 =	slt.u32 s13, $0x2  }
0x24: {  	p1 =	sgt.s32 @!p0 s14, $0xC2D0  }
0x25: {  	s15 =	smov.u32 s14;
	s16 =	sshra.s32 @!p0 s14, $0x1F;
	p1 =	por !p1, p0  }
0x26: {  	s14 =	sand.u32 @!p0 s16, s14;
	s15 =	simm.s32 @p1 $0xC2D0  }
0x27: {  	s14 =	ssub.s32 @!p0 s15, s14  }
0x28: {  	s14 =	sadd.s32 @!p0 $0xFFFF3D30, s14  }
0x29: {  	s15 =	sshll.u32 @!p0 s14, $0x7  }
0x2a: {  	p1 =	sgt.s32 @!p0 s14, $0x7F;
	s14 =	ssub.s32 @!p0 $0x4000, s15  }
0x2b: {  	s16 =	sadd.s32 $0x800, s12;
	p1 =	por !p1, p0;
	s14 =	sand.u32 @!p0 $0x3FFFFF80, s14  }
0x2c: {  	s14 =	simm.s32 @!p1 $0x0;
	p1 =	sgt.s32 s16, $0xC34F  }
0x2d: {  	s16 =	smov.u32 @p1 s3;
	p1 =	sne.s32 s13, s8  }
.Ltmp1:
0x2e: {  	_ = 	snop;
	(pc) =	sbr.rel @!p1 .LBB1_11-.Ltmp1, $4  }
0x2f: {  	s10 =	sadd.s32 $0x4000, s10;
	s15 =	simm.s32 @!p0 $0x2  }
0x30: {  	_ =	swait.ge @!p0 [sflag:s15], s14;
	s17 =	ssub.s32 @!p0 $0x0, s14;
	s14 =	smov.u32 s11  }
0x31: {  	s13 =	sadd.s32 $0x1, s13;
	s11 =	smov.u32 s12;
	[sflag:s15] =	ssyncset.done @!p0 $0x0  }
0x32: {  	s12 =	smov.u32 s16;
	[sflag:s15] =	ssyncadd.s32 @!p0 s17;
	s15 =	smov.u32 s2  }
.LBB1_1:
0x33: {  	p0 =	sge.u32 s13, s6  }
0x34: {  	p1 =	sgt.s32 @!p0 s12, $0xC2D0  }
0x35: {  	s16 =	smov.u32 s12;
	s17 =	sshra.s32 @!p0 s12, $0x1F;
	p1 =	por !p1, p0  }
0x36: {  	s17 =	sand.u32 @!p0 s17, s12;
	s16 =	simm.s32 @p1 $0xC2D0  }
0x37: {  	s16 =	ssub.s32 @!p0 s16, s17  }
0x38: {  	s31 =	sadd.s32 $0xFFFFFFFF, s13;
	s18 =	sxor.u32 @!p0 $0xFFFFFFFF, s13;
	s16 =	sadd.s32 @!p0 $0xFFFF3D30, s16  }
0x39: {  	s19 =	simm.s32 @!p0 $0x80;
	s20 =	simm.s32 @!p0 $0x100;
	s17 =	sshll.u32 @!p0 s16, $0x7  }
0x3a: {  	p1 =	sgt.s32 @!p0 s16, $0x7F;
	s16 =	ssub.s32 @!p0 $0x4000, s17;
	s17 =	sshll.u32 @!p0 s18, $0xE  }
0x3b: {  	p1 =	por !p1, p0;
	s18 =	sshll.u32 @!p0 s12, $0x5;
	s16 =	sand.u32 @!p0 $0x3FFFFF80, s16  }
0x3c: {  	s17 =	sand.u32 @!p0 $0x4000, s17;
	s18 =	sadd.s32 @!p0 s18, s7;
	s16 =	simm.s32 @!p1 $0x0  }
0x3d: {  	[tilespmem:s17], [sflag:$0x1] =	stream.strided.gather @!p0 [hbm4b:s18+s19], s16, s20, s19, $0x38;
	[tilespmem:$0x10000] =	vst v63  }
0x3e: {  	p0 =	sge.u32 s31, s6  }
.Ltmp2:
0x3f: {  	_ = 	snop;
	(pc) =	sbr.rel @p0 .LBB1_10-.Ltmp2, $1  }
0x40: {  	_ =	sdelay $0x3  }
0x41: {  	p0 =	sgt.s32 s11, $0xC2D0;
	s16 =	smov.u32 s11;
	s17 =	sshra.s32 s11, $0x1F  }
0x42: {  	s16 =	simm.s32 @!p0 $0xC2D0;
	s17 =	sand.u32 s17, s11  }
0x43: {  	s16 =	ssub.s32 s16, s17  }
0x44: {  	s16 =	sadd.s32 $0xFFFF3D30, s16  }
0x45: {  	s30 =	sshll.u32 s16, $0x7  }
0x46: {  	s17 =	ssub.s32 $0x4000, s30  }
0x47: {  	p0 =	sgt.s32 s16, $0x7F;
	s16 =	sand.u32 $0x3FFFFF80, s17;
	s17 =	sadd.s32 $0x80, s11  }
0x48: {  	s16 =	simm.s32 @p0 $0x0;
	p0 =	slt.s32 s17, $0xC350  }
0x49: {  	s17 =	simm.s32 @!p0 $0xC350  }
0x4a: {  	s20 =	ssub.s32 s17, s11  }
0x4b: {  	p0 =	slt.s32 s20, $0x1  }
.Ltmp3:
0x4c: {  	_ = 	snop;
	(pc) =	sbr.rel @p0 .LBB1_9-.Ltmp3, $4  }
0x4d: {  	_ = 	snop  }
0x4e: {  	s19 =	sshll.u32 s13, $0xE;
	_ =	swait.ge [sflag:s5], s16  }
0x4f: {  	s31 =	sand.u32 $0x4000, s19;
	s18 =	ssub.s32 $0x0, s16;
	[sflag:s5] =	ssyncset.done $0x0  }
0x50: {  	s17 =	sor.u32 $0x8000, s31;
	[sflag:s5] =	ssyncadd.s32 s18  }
0x51: {  	p1 =	sne.s32 s20, $0x1  }
.Ltmp4:
0x52: {  	v0 =	vmov s17;
	(pc) =	sbr.rel @!p1 .LBB1_4-.Ltmp4, $4  }
0x53: {  	_ = 	snop  }
0x54: {  	s18 =	sand.u32 $0x4000, s10  }
0x55: {  	s18 =	sor.u32 $0x40, s18  }
0x56: {  	s19 =	simm.s32 $0x0;
	s21 =	sadd.s32 $0xFFFFFFFF, s20;
	p0 =	por $0x0, $0x0;
	v1 =	vld [tilespmem:s18+$0x30]  }
0x57: {  	v4 =	vld [tilespmem:s18+$0xFFFFFFC0]  }
0x58: {  	v6 =	vld [tilespmem:s18+$0xFFFFFFD0]  }
0x59: {  	v7 =	vld [tilespmem:s18+$0xFFFFFFE0];
	p1 =	sne.s32 s21, $0x1  }
.Ltmp5:
0x5a: {  	v2 =	vld [tilespmem:s18+$0xFFFFFFF0];
	s20 =	sand.u32 $0x3F80, s19;
	(pc) =	sbr.rel @!p1 .LBB1_6-.Ltmp5, $4  }
0x5b: {  	v3 =	vld [tilespmem:s18+$0x0];
	[tilespmem:v0+s20+$0x70 ss:$0x1] =	vst.idx.msk $0xffff, v1  }
0x5c: {  	v5 =	vld [tilespmem:s18+$0x10];
	[tilespmem:v0+s20+$0x0 ss:$0x1] =	vst.idx.msk $0xffff, v4  }
0x5d: {  	v4 =	vld [tilespmem:s18+$0x20];
	[tilespmem:v0+s20+$0x10 ss:$0x1] =	vst.idx.msk $0xffff, v6;
	s18 =	sadd.s32 $0x80, s18  }
0x5e: {  	s22 =	sadd.s32 $0xFFFFFFFF, s21;
	p0 =	por $0x1, $0x1;
	s21 =	simm.s32 $0x0;
	[tilespmem:v0+s20+$0x20 ss:$0x1] =	vst.idx.msk $0xffff, v7;
	v1 =	vld [tilespmem:s18+$0x30]  }
.LBB1_7:
0x5f: {  	p1 =	sne.s32 s22, $0x1;
	v6 =	vld [tilespmem:s18+$0xFFFFFFC0];
	[tilespmem:v0+s20+$0x30 ss:$0x1] =	vst.idx.msk $0xffff, v2  }
0x60: {  	v7 =	vld [tilespmem:s18+$0xFFFFFFD0];
	[tilespmem:v0+s20+$0x40 ss:$0x1] =	vst.idx.msk $0xffff, v3  }
0x61: {  	s21 =	sadd.s32 $0x80, s21;
	v8 =	vld [tilespmem:s18+$0xFFFFFFE0];
	[tilespmem:v0+s20+$0x50 ss:$0x1] =	vst.idx.msk $0xffff, v5  }
.Ltmp6:
0x62: {  	v2 =	vld [tilespmem:s18+$0xFFFFFFF0];
	[tilespmem:v0+s20+$0x60 ss:$0x1] =	vst.idx.msk $0xffff, v4;
	s20 =	sand.u32 $0x3F80, s21;
	(pc) =	sbr.rel @p1 .LBB1_7-.Ltmp6, $4  }
0x63: {  	v3 =	vld [tilespmem:s18+$0x0];
	[tilespmem:v0+s20+$0x70 ss:$0x1] =	vst.idx.msk $0xffff, v1  }
0x64: {  	[tilespmem:v0+s20+$0x0 ss:$0x1] =	vst.idx.msk $0xffff, v6;
	v5 =	vld [tilespmem:s18+$0x10]  }
0x65: {  	[tilespmem:v0+s20+$0x10 ss:$0x1] =	vst.idx.msk $0xffff, v7;
	v4 =	vld [tilespmem:s18+$0x20];
	s18 =	sadd.s32 $0x80, s18  }
0x66: {  	s22 =	sadd.s32 $0xFFFFFFFF, s22;
	v1 =	vld [tilespmem:s18+$0x30];
	[tilespmem:v0+s20+$0x20 ss:$0x1] =	vst.idx.msk $0xffff, v8  }
.Ltmp7:
0x67: {  	_ = 	snop;
	(pc) =	sbr.rel .LBB1_8-.Ltmp7, $1  }
0x68: {  	_ =	sdelay $0x3  }
.LBB1_6:
.Ltmp8:
0x69: {  	(pc) =	sbr.rel .LBB1_8-.Ltmp8, $2  }
0x6a: {  	_ =	sdelay $0x2  }
0x6b: {  	s21 =	simm.s32 $0x0  }
.LBB1_11:
0x6c: {  	_ =	sfence.sel $0x180000  }
0x6d: {  	s2 =	simm.s32 $0x1;
	[bflag:$0x0] =	sbarrier.arrive $0xFFFF  }
0x6e: {  	s31 =	simm.s32 $0x2;
	[sflag:s2] =	ssyncpa.u1 $0x1  }
0x6f: {  	[sflag:s31] =	ssyncpa.u1 $0x1  }
0x70: {  	p0 =	sne.s32 s0, $0x0;
	_ =	strace $0x90000047  }
0x71: {  	s0 =	sadd.s32 @!p0 $0x100000, s1;
	[bflag:$0x2] =	sbarrier.arrive $0xFFFF  }
0x72: {  	[sflag:s0] =	ssyncadd.tile.s32 @!p0 $0x1;
	_ =	shalt  }
.Lfunc_end1:
_tile_overlayer_lowered:
.L_overlay_start_2:
0x73: {  	(tag) =	ssettag $0x2  }
0x74: {  	s0 =	rddreg [dreg:$0x0];
	s2 =	stileid.u32  }
0x75: {  	s1 =	rddreg [dreg:$0x1];
	p0 =	sne.s32 s2, $0x0  }
0x76: {  	s3 =	rddreg [dreg:$0x2];
	[bflag:$0x3] =	sbarrier.arrive $0xFFFF;
	s2 =	simm.s32 @!p0 $0x1C01  }
0x77: {  	[timem:s3], [sflag:s2] =	dma.local @!p0 [hbm:s0], s1  }
0x78: {  	s0 =	simm.s32 @!p0 $0x1  }
0x79: {  	_ =	swait.ge @!p0 [sflag:s0], s1  }
0x7a: {  	s1 =	ssub.s32 @!p0 $0x0, s1;
	[sflag:s0] =	ssyncset.done @!p0 $0x0  }
0x7b: {  	[sflag:s0] =	ssyncadd.s32 @!p0 s1  }
0x7c: {  	[bflag:$0x3] =	sbarrier.arrive $0xFFFF  }
0x7d: {  	_ =	shalt  }

</sc_bundles>
